<compile_context>
chip_gen: v7x
topology: tpu7x:2x2x1
jax: 0.10.2.dev20260603
libtpu: 0.0.44.dev20260713+nightly
codegen_flags: <defaults>
</compile_context>

<pallas_src>
import jax
import jax.numpy as jnp
from jax import lax
from jax.experimental import pallas as pl
from jax.experimental.pallas import tpu as pltpu
from jax.experimental.pallas import tpu_sc as plsc

_B = 16
_N = 8192
_M = 1024
_L = 16
_H = _N // 2
_NCHUNK = _H // _L
_SLOT = 2 * _L


def _fps_body(pos_hbm, out_hbm, px, py, pz, dists, ox, oy, oz, xbuf, sh):
    c = lax.axis_index("c")
    s = lax.axis_index("s")
    b = c * 8 + lax.div(s, 2)
    h = lax.rem(s, 2)
    base = h * _H

    pltpu.sync_copy(pos_hbm.at[pl.ds((b * 3 + 0) * _N, _N)], px)
    pltpu.sync_copy(pos_hbm.at[pl.ds((b * 3 + 1) * _N, _N)], py)
    pltpu.sync_copy(pos_hbm.at[pl.ds((b * 3 + 2) * _N, _N)], pz)

    lanes = lax.iota(jnp.int32, _L)
    lane0 = lanes == 0
    neg = jnp.full((_L,), -3.4e38, jnp.float32)
    nsent = jnp.full((_L,), _N, jnp.int32)

    sx = jnp.full((_L,), jnp.max(jnp.where(lane0, px[pl.ds(0, _L)], neg)),
                  jnp.float32)
    sy = jnp.full((_L,), jnp.max(jnp.where(lane0, py[pl.ds(0, _L)], neg)),
                  jnp.float32)
    sz = jnp.full((_L,), jnp.max(jnp.where(lane0, pz[pl.ds(0, _L)], neg)),
                  jnp.float32)

    @pl.when(h == 0)
    def _():
        zf = jnp.zeros((_L,), jnp.float32)
        ox[pl.ds(0, _L)] = jnp.where(lane0, sx, zf)
        oy[pl.ds(0, _L)] = jnp.where(lane0, sy, zf)
        oz[pl.ds(0, _L)] = jnp.where(lane0, sz, zf)

    def epilogue(i, best, bidx):
        mval = jnp.max(best)
        cand = jnp.where(best == mval, bidx, nsent)
        midx = jnp.min(cand)
        mv = jnp.full((_L,), mval, jnp.float32)
        mi = jnp.full((_L,), midx, jnp.int32)

        par = lax.rem(i, 2)
        my_slot = (s + 16 * par) * _SLOT
        pa_slot = ((s ^ 1) + 16 * par) * _SLOT
        xbuf[pl.ds(0, _L)] = plsc.bitcast(mv, jnp.int32)
        xbuf[pl.ds(_L, _L)] = mi
        pltpu.sync_copy(xbuf, sh.at[pl.ds(my_slot, _SLOT)])
        plsc.subcore_barrier()
        pltpu.sync_copy(sh.at[pl.ds(pa_slot, _SLOT)], xbuf)
        pv = plsc.bitcast(xbuf[pl.ds(0, _L)], jnp.float32)
        pi = xbuf[pl.ds(_L, _L)]
        win = (pv > mv) | ((pv == mv) & (pi < mi))
        wi = jnp.where(win, pi, mi)

        nsx = plsc.load_gather(px, [wi])
        nsy = plsc.load_gather(py, [wi])
        nsz = plsc.load_gather(pz, [wi])

        @pl.when(h == 0)
        def _():
            oi = jnp.full((_L,), i, jnp.int32)
            plsc.store_scatter(ox, [oi], nsx, mask=lane0)
            plsc.store_scatter(oy, [oi], nsy, mask=lane0)
            plsc.store_scatter(oz, [oi], nsz, mask=lane0)

        return nsx, nsy, nsz

    @plsc.parallel_loop(
        0, _NCHUNK, unroll=8,
        carry=(jnp.full((_L,), -1.0, jnp.float32),
               jnp.zeros((_L,), jnp.int32)))
    def first(k, acc):
        best, bidx = acc
        off = pl.multiple_of(k * _L, _L)
        vx = px[pl.ds(base + off, _L)]
        vy = py[pl.ds(base + off, _L)]
        vz = pz[pl.ds(base + off, _L)]
        dx = vx - sx
        dy = vy - sy
        dz = vz - sz
        d = (dx * dx + dy * dy) + dz * dz
        dists[pl.ds(off, _L)] = d
        m = d > best
        best = jnp.where(m, d, best)
        bidx = jnp.where(m, base + off + lanes, bidx)
        return best, bidx

    best1, bidx1 = first
    carry1 = epilogue(1, best1, bidx1)

    def step(i, carry):
        cx, cy, cz = carry

        @plsc.parallel_loop(
            0, _NCHUNK, unroll=8,
            carry=(jnp.full((_L,), -1.0, jnp.float32),
                   jnp.zeros((_L,), jnp.int32)))
        def chunk(k, acc):
            best, bidx = acc
            off = pl.multiple_of(k * _L, _L)
            vx = px[pl.ds(base + off, _L)]
            vy = py[pl.ds(base + off, _L)]
            vz = pz[pl.ds(base + off, _L)]
            dx = vx - cx
            dy = vy - cy
            dz = vz - cz
            d = (dx * dx + dz * dz) + dy * dy
            nd = jnp.minimum(dists[pl.ds(off, _L)], d)
            dists[pl.ds(off, _L)] = nd
            m = nd > best
            best = jnp.where(m, nd, best)
            bidx = jnp.where(m, base + off + lanes, bidx)
            return best, bidx

        best, bidx = chunk
        return epilogue(i, best, bidx)

    lax.fori_loop(2, _M, step, carry1)

    @pl.when(h == 0)
    def _():
        pltpu.sync_copy(ox, out_hbm.at[pl.ds((b * 3 + 0) * _M, _M)])
        pltpu.sync_copy(oy, out_hbm.at[pl.ds((b * 3 + 1) * _M, _M)])
        pltpu.sync_copy(oz, out_hbm.at[pl.ds((b * 3 + 2) * _M, _M)])


@jax.jit
def _fps(pos_t):
    mesh = plsc.VectorSubcoreMesh(core_axis_name="c", subcore_axis_name="s")
    k = pl.kernel(
        _fps_body,
        out_type=jax.ShapeDtypeStruct((_B * 3 * _M,), jnp.float32),
        mesh=mesh,
        scratch_types=[
            pltpu.VMEM((_N,), jnp.float32),
            pltpu.VMEM((_N,), jnp.float32),
            pltpu.VMEM((_N,), jnp.float32),
            pltpu.VMEM((_H,), jnp.float32),
            pltpu.VMEM((_M,), jnp.float32),
            pltpu.VMEM((_M,), jnp.float32),
            pltpu.VMEM((_M,), jnp.float32),
            pltpu.VMEM((_SLOT,), jnp.int32),
            pltpu.VMEM_SHARED((32 * _SLOT,), jnp.int32),
        ],
        compiler_params=pltpu.CompilerParams(needs_layout_passes=False),
    )
    return k(pos_t)


def kernel(pos):
    pos_t = pos.reshape(_B, _N, 3).transpose(0, 2, 1).reshape(-1)
    out = _fps(pos_t)
    return out.reshape(_B, 3, _M).transpose(0, 2, 1).reshape(_B * _M, 3)

# --- scband reference (transcript-rebuilt; emitter-appended) ---
"""Pipeline reference for scband-fps-12386685681722 (READ-ONLY COPY).

The authoritative reference and input builder live on the scoring server;
editing this copy changes nothing except your own understanding.
"""

import jax, jax.numpy as jnp
import numpy as np

B = 16
N_PER = 8192
RATIO = 0.125
M = int(N_PER * RATIO)


def setup_inputs(seed: int = 0) -> dict:
    key = jax.random.key(seed)
    pos = jax.random.normal(key, (B * N_PER, 3), dtype=jnp.float32)
    return {"pos": pos}


def _fps_one(p):
    # p: [N_PER, 3]. random_first=False -> first selected index is 0.
    dists0 = jnp.sum((p - p[0]) ** 2, axis=-1)

    def step(dists, _):
        nxt = jnp.argmax(dists)
        d = jnp.sum((p - p[nxt]) ** 2, axis=-1)
        dists = jnp.minimum(dists, d)
        return dists, nxt

    _, idx_rest = jax.lax.scan(step, dists0, None, length=M - 1)
    first = jnp.zeros((1,), dtype=idx_rest.dtype)
    return jnp.concatenate([first, idx_rest])


def reference(pos):
    # Farthest point sampling over B equal-sized clouds packed into pos.
    posb = pos.reshape(B, N_PER, 3)
    idxs = jax.vmap(_fps_one)(posb)  # [B, M] local indices
    offsets = jnp.arange(B, dtype=idxs.dtype)[:, None] * N_PER
    idx_flat = (idxs + offsets).reshape(-1)  # flat indices into pos, like torch_cluster.fps
    sampled = pos[jax.lax.stop_gradient(idx_flat)]  # [B*M, 3] gathered sampled points
    return sampled

if __name__ == "__main__":
    import jax
    _d = setup_inputs()
    print(jax.jit(kernel)(*tuple(_d.values())))

</pallas_src>

<mosaic_0001>
#map = affine_map<(d0, d1) -> (0)>
module attributes {stable_mosaic.version = 14 : i64} {
  func.func @_fps_body(%arg0: i32, %arg1: i32, %arg2: memref<393216xf32, #tpu.memory_space<hbm>>, %arg3: memref<49152xf32, #tpu.memory_space<hbm>>, %arg4: memref<8192xf32, #tpu.memory_space<vmem>>, %arg5: memref<8192xf32, #tpu.memory_space<vmem>>, %arg6: memref<8192xf32, #tpu.memory_space<vmem>>, %arg7: memref<4096xf32, #tpu.memory_space<vmem>>, %arg8: memref<1024xf32, #tpu.memory_space<vmem>>, %arg9: memref<1024xf32, #tpu.memory_space<vmem>>, %arg10: memref<1024xf32, #tpu.memory_space<vmem>>, %arg11: memref<32xi32, #tpu.memory_space<vmem>>, %arg12: memref<1024xi32, #tpu.memory_space<vmem_shared>>) attributes {dimension_semantics = [#tpu.dimension_semantics<core_parallel>, #tpu.dimension_semantics<subcore_parallel>], iteration_bounds = array<i64: 2, 16>, scalar_prefetch = 0 : i64, scratch_operands = 9 : i64, tpu.core_type = #tpu.core_type<sc_vector_subcore>, window_params = [{transform_indices = #map}, {transform_indices = #map}]} {
    %mul3A = arith.constant 8 : i32
    %mul3A_0 = arith.muli %arg0, %mul3A : i32
    %div3A = arith.constant 2 : i32
    %div3A_1 = arith.divsi %arg1, %div3A : i32
    %add3A = arith.addi %mul3A_0, %div3A_1 : i32
    %rem3A = arith.constant 2 : i32
    %rem3A_2 = arith.remsi %arg1, %rem3A : i32
    %mul3A_3 = arith.constant 4096 : i32
    %mul3A_4 = arith.muli %rem3A_2, %mul3A_3 : i32
    %mul3A_5 = arith.constant 3 : i32
    %mul3A_6 = arith.muli %add3A, %mul3A_5 : i32
    %add3A_7 = arith.constant 0 : i32
    %add3A_8 = arith.addi %mul3A_6, %add3A_7 : i32
    %mul3A_9 = arith.constant 8192 : i32
    %mul3A_10 = arith.muli %add3A_8, %mul3A_9 : i32
    "tpu.region"() ({
      %run_scoped3A = tpu.sem_alloc : memref<!tpu.dma_semaphore, #tpu.memory_space<semaphore_mem>>
      %dma_start3A = tpu.memref_slice %arg2[%mul3A_10] : memref<393216xf32, #tpu.memory_space<hbm>> -> memref<8192xf32, #tpu.memory_space<hbm>>
      %dma_start3A_116 = tpu.memref_slice %arg2[%mul3A_10] : memref<393216xf32, #tpu.memory_space<hbm>> -> memref<8192xf32, #tpu.memory_space<hbm>>
      tpu.enqueue_dma source(%dma_start3A_116 : memref<8192xf32, #tpu.memory_space<hbm>>) target(%arg4 : memref<8192xf32, #tpu.memory_space<vmem>>) target_semaphore(%run_scoped3A : memref<!tpu.dma_semaphore, #tpu.memory_space<semaphore_mem>>)
      %dma_wait3A = tpu.memref_slice %arg2[%mul3A_10] : memref<393216xf32, #tpu.memory_space<hbm>> -> memref<8192xf32, #tpu.memory_space<hbm>>
      %dma_wait3A_117 = tpu.memref_slice %arg2[%mul3A_10] : memref<393216xf32, #tpu.memory_space<hbm>> -> memref<8192xf32, #tpu.memory_space<hbm>>
      tpu.wait_dma2 semaphore(%run_scoped3A : memref<!tpu.dma_semaphore, #tpu.memory_space<semaphore_mem>>) src(%dma_wait3A_117 : memref<8192xf32, #tpu.memory_space<hbm>>) dst(%arg4 : memref<8192xf32, #tpu.memory_space<vmem>>)
      tpu.yield
    }) : () -> ()
    %mul3A_11 = arith.constant 3 : i32
    %mul3A_12 = arith.muli %add3A, %mul3A_11 : i32
    %add3A_13 = arith.constant 1 : i32
    %add3A_14 = arith.addi %mul3A_12, %add3A_13 : i32
    %mul3A_15 = arith.constant 8192 : i32
    %mul3A_16 = arith.muli %add3A_14, %mul3A_15 : i32
    "tpu.region"() ({
      %run_scoped3A = tpu.sem_alloc : memref<!tpu.dma_semaphore, #tpu.memory_space<semaphore_mem>>
      %dma_start3A = tpu.memref_slice %arg2[%mul3A_16] : memref<393216xf32, #tpu.memory_space<hbm>> -> memref<8192xf32, #tpu.memory_space<hbm>>
      %dma_start3A_116 = tpu.memref_slice %arg2[%mul3A_16] : memref<393216xf32, #tpu.memory_space<hbm>> -> memref<8192xf32, #tpu.memory_space<hbm>>
      tpu.enqueue_dma source(%dma_start3A_116 : memref<8192xf32, #tpu.memory_space<hbm>>) target(%arg5 : memref<8192xf32, #tpu.memory_space<vmem>>) target_semaphore(%run_scoped3A : memref<!tpu.dma_semaphore, #tpu.memory_space<semaphore_mem>>)
      %dma_wait3A = tpu.memref_slice %arg2[%mul3A_16] : memref<393216xf32, #tpu.memory_space<hbm>> -> memref<8192xf32, #tpu.memory_space<hbm>>
      %dma_wait3A_117 = tpu.memref_slice %arg2[%mul3A_16] : memref<393216xf32, #tpu.memory_space<hbm>> -> memref<8192xf32, #tpu.memory_space<hbm>>
      tpu.wait_dma2 semaphore(%run_scoped3A : memref<!tpu.dma_semaphore, #tpu.memory_space<semaphore_mem>>) src(%dma_wait3A_117 : memref<8192xf32, #tpu.memory_space<hbm>>) dst(%arg5 : memref<8192xf32, #tpu.memory_space<vmem>>)
      tpu.yield
    }) : () -> ()
    %mul3A_17 = arith.constant 3 : i32
    %mul3A_18 = arith.muli %add3A, %mul3A_17 : i32
    %add3A_19 = arith.constant 2 : i32
    %add3A_20 = arith.addi %mul3A_18, %add3A_19 : i32
    %mul3A_21 = arith.constant 8192 : i32
    %mul3A_22 = arith.muli %add3A_20, %mul3A_21 : i32
    "tpu.region"() ({
      %run_scoped3A = tpu.sem_alloc : memref<!tpu.dma_semaphore, #tpu.memory_space<semaphore_mem>>
      %dma_start3A = tpu.memref_slice %arg2[%mul3A_22] : memref<393216xf32, #tpu.memory_space<hbm>> -> memref<8192xf32, #tpu.memory_space<hbm>>
      %dma_start3A_116 = tpu.memref_slice %arg2[%mul3A_22] : memref<393216xf32, #tpu.memory_space<hbm>> -> memref<8192xf32, #tpu.memory_space<hbm>>
      tpu.enqueue_dma source(%dma_start3A_116 : memref<8192xf32, #tpu.memory_space<hbm>>) target(%arg6 : memref<8192xf32, #tpu.memory_space<vmem>>) target_semaphore(%run_scoped3A : memref<!tpu.dma_semaphore, #tpu.memory_space<semaphore_mem>>)
      %dma_wait3A = tpu.memref_slice %arg2[%mul3A_22] : memref<393216xf32, #tpu.memory_space<hbm>> -> memref<8192xf32, #tpu.memory_space<hbm>>
      %dma_wait3A_117 = tpu.memref_slice %arg2[%mul3A_22] : memref<393216xf32, #tpu.memory_space<hbm>> -> memref<8192xf32, #tpu.memory_space<hbm>>
      tpu.wait_dma2 semaphore(%run_scoped3A : memref<!tpu.dma_semaphore, #tpu.memory_space<semaphore_mem>>) src(%dma_wait3A_117 : memref<8192xf32, #tpu.memory_space<hbm>>) dst(%arg6 : memref<8192xf32, #tpu.memory_space<vmem>>)
      tpu.yield
    }) : () -> ()
    %iota3A = tpu.iota {dimensions = array<i32: 0>} : vector<16xi32>
    %eq3A = arith.constant 0 : i32
    %eq3A_23 = vector.broadcast %eq3A : i32 to vector<16xi32>
    %eq3A_24 = arith.cmpi eq, %iota3A, %eq3A_23 : vector<16xi32>
    %broadcast_in_dim3A = arith.constant -3.400000e+38 : f32
    %broadcast_in_dim3A_25 = vector.broadcast %broadcast_in_dim3A : f32 to vector<16xf32>
    %broadcast_in_dim3A_26 = arith.constant 8192 : i32
    %broadcast_in_dim3A_27 = vector.broadcast %broadcast_in_dim3A_26 : i32 to vector<16xi32>
    %get3A = arith.constant 0 : index
    %get3A_28 = tpu.vector_load %arg4[%get3A] {strides = array<i32>} : memref<8192xf32, #tpu.memory_space<vmem>>, vector<16xf32>,
    %select_n3A = arith.select %eq3A_24, %get3A_28, %broadcast_in_dim3A_25 : vector<16xi1>, vector<16xf32>
    %reduce_max3A = arith.constant true
    %reduce_max3A_29 = vector.broadcast %reduce_max3A : i1 to vector<16xi1>
    %reduce_max3A_30 = tpu.scan <max>, %select_n3A masked %reduce_max3A_29 : vector<16xf32>, vector<16xi1> -> vector<16xf32>
    %reduce_max3A_31 = vector.extract %reduce_max3A_30[15] : f32 from vector<16xf32>
    %broadcast_in_dim3A_32 = vector.broadcast %reduce_max3A_31 : f32 to vector<16xf32>
    %get3A_33 = arith.constant 0 : index
    %get3A_34 = tpu.vector_load %arg5[%get3A_33] {strides = array<i32>} : memref<8192xf32, #tpu.memory_space<vmem>>, vector<16xf32>,
    %select_n3A_35 = arith.select %eq3A_24, %get3A_34, %broadcast_in_dim3A_25 : vector<16xi1>, vector<16xf32>
    %reduce_max3A_36 = arith.constant true
    %reduce_max3A_37 = vector.broadcast %reduce_max3A_36 : i1 to vector<16xi1>
    %reduce_max3A_38 = tpu.scan <max>, %select_n3A_35 masked %reduce_max3A_37 : vector<16xf32>, vector<16xi1> -> vector<16xf32>
    %reduce_max3A_39 = vector.extract %reduce_max3A_38[15] : f32 from vector<16xf32>
    %broadcast_in_dim3A_40 = vector.broadcast %reduce_max3A_39 : f32 to vector<16xf32>
    %get3A_41 = arith.constant 0 : index
    %get3A_42 = tpu.vector_load %arg6[%get3A_41] {strides = array<i32>} : memref<8192xf32, #tpu.memory_space<vmem>>, vector<16xf32>,
    %select_n3A_43 = arith.select %eq3A_24, %get3A_42, %broadcast_in_dim3A_25 : vector<16xi1>, vector<16xf32>
    %reduce_max3A_44 = arith.constant true
    %reduce_max3A_45 = vector.broadcast %reduce_max3A_44 : i1 to vector<16xi1>
    %reduce_max3A_46 = tpu.scan <max>, %select_n3A_43 masked %reduce_max3A_45 : vector<16xf32>, vector<16xi1> -> vector<16xf32>
    %reduce_max3A_47 = vector.extract %reduce_max3A_46[15] : f32 from vector<16xf32>
    %broadcast_in_dim3A_48 = vector.broadcast %reduce_max3A_47 : f32 to vector<16xf32>
    %eq3A_49 = arith.constant 0 : i32
    %eq3A_50 = arith.cmpi eq, %rem3A_2, %eq3A_49 : i32
    %convert_element_type3A = arith.extui %eq3A_50 : i1 to i32
    %cond3A = arith.constant 0 : i32
    %cond3A_51 = arith.cmpi ne, %convert_element_type3A, %cond3A : i32
    scf.if %cond3A_51 {
      %broadcast_in_dim3A_116 = arith.constant 0.000000e+00 : f32
      %broadcast_in_dim3A_117 = vector.broadcast %broadcast_in_dim3A_116 : f32 to vector<16xf32>
      %select_n3A_118 = arith.select %eq3A_24, %broadcast_in_dim3A_32, %broadcast_in_dim3A_117 : vector<16xi1>, vector<16xf32>
      %swap3A_119 = arith.constant 0 : index
      %swap3A_120 = tpu.vector_load %arg8[%swap3A_119] {strides = array<i32>} : memref<1024xf32, #tpu.memory_space<vmem>>, vector<16xf32>,
      tpu.vector_store %arg8[%swap3A_119], %select_n3A_118 {strides = array<i32>} : memref<1024xf32, #tpu.memory_space<vmem>>, vector<16xf32>,
      %select_n3A_121 = arith.select %eq3A_24, %broadcast_in_dim3A_40, %broadcast_in_dim3A_117 : vector<16xi1>, vector<16xf32>
      %swap3A_122 = arith.constant 0 : index
      %swap3A_123 = tpu.vector_load %arg9[%swap3A_122] {strides = array<i32>} : memref<1024xf32, #tpu.memory_space<vmem>>, vector<16xf32>,
      tpu.vector_store %arg9[%swap3A_122], %select_n3A_121 {strides = array<i32>} : memref<1024xf32, #tpu.memory_space<vmem>>, vector<16xf32>,
      %select_n3A_124 = arith.select %eq3A_24, %broadcast_in_dim3A_48, %broadcast_in_dim3A_117 : vector<16xi1>, vector<16xf32>
      %swap3A_125 = arith.constant 0 : index
      %swap3A_126 = tpu.vector_load %arg10[%swap3A_125] {strides = array<i32>} : memref<1024xf32, #tpu.memory_space<vmem>>, vector<16xf32>,
      tpu.vector_store %arg10[%swap3A_125], %select_n3A_124 {strides = array<i32>} : memref<1024xf32, #tpu.memory_space<vmem>>, vector<16xf32>,
    } else {
    }
    %broadcast_in_dim3A_52 = arith.constant -1.000000e+00 : f32
    %broadcast_in_dim3A_53 = vector.broadcast %broadcast_in_dim3A_52 : f32 to vector<16xf32>
    %broadcast_in_dim3A_54 = arith.constant 0 : i32
    %broadcast_in_dim3A_55 = vector.broadcast %broadcast_in_dim3A_54 : i32 to vector<16xi32>
    %parallel_loop3A = arith.constant 0 : i32
    %parallel_loop3A_56 = arith.constant 256 : i32
    %parallel_loop3A_57 = arith.constant 1 : i32
    %parallel_loop3A_58:2 = scf.for %parallel_loop3A_116 = %parallel_loop3A to %parallel_loop3A_56 step %parallel_loop3A_57 iter_args(%parallel_loop3A_117 = %broadcast_in_dim3A_53, %parallel_loop3A_118 = %broadcast_in_dim3A_55) -> (vector<16xf32>, vector<16xi32>)  : i32 {
      %parallel_loop3A_119 = arith.constant 16 : i32
      %parallel_loop3A_120 = arith.muli %parallel_loop3A_116, %parallel_loop3A_119 : i32
      %parallel_loop3A_121 = tpu.assume_multiple %parallel_loop3A_120, 16 : i32
      %parallel_loop3A_122 = arith.addi %mul3A_4, %parallel_loop3A_121 : i32
      %parallel_loop3A_123 = arith.index_cast %parallel_loop3A_122 : i32 to index
      %parallel_loop3A_124 = tpu.vector_load %arg4[%parallel_loop3A_123] {strides = array<i32>} : memref<8192xf32, #tpu.memory_space<vmem>>, vector<16xf32>,
      %parallel_loop3A_125 = arith.addi %mul3A_4, %parallel_loop3A_121 : i32
      %parallel_loop3A_126 = arith.index_cast %parallel_loop3A_125 : i32 to index
      %parallel_loop3A_127 = tpu.vector_load %arg5[%parallel_loop3A_126] {strides = array<i32>} : memref<8192xf32, #tpu.memory_space<vmem>>, vector<16xf32>,
      %parallel_loop3A_128 = arith.addi %mul3A_4, %parallel_loop3A_121 : i32
      %parallel_loop3A_129 = arith.index_cast %parallel_loop3A_128 : i32 to index
      %parallel_loop3A_130 = tpu.vector_load %arg6[%parallel_loop3A_129] {strides = array<i32>} : memref<8192xf32, #tpu.memory_space<vmem>>, vector<16xf32>,
      %parallel_loop3A_131 = arith.subf %parallel_loop3A_124, %broadcast_in_dim3A_32 : vector<16xf32>
      %parallel_loop3A_132 = arith.subf %parallel_loop3A_127, %broadcast_in_dim3A_40 : vector<16xf32>
      %parallel_loop3A_133 = arith.subf %parallel_loop3A_130, %broadcast_in_dim3A_48 : vector<16xf32>
      %parallel_loop3A_134 = arith.mulf %parallel_loop3A_131, %parallel_loop3A_131 : vector<16xf32>
      %parallel_loop3A_135 = arith.mulf %parallel_loop3A_132, %parallel_loop3A_132 : vector<16xf32>
      %parallel_loop3A_136 = arith.addf %parallel_loop3A_134, %parallel_loop3A_135 : vector<16xf32>
      %parallel_loop3A_137 = arith.mulf %parallel_loop3A_133, %parallel_loop3A_133 : vector<16xf32>
      %parallel_loop3A_138 = arith.addf %parallel_loop3A_136, %parallel_loop3A_137 : vector<16xf32>
      %parallel_loop3A_139 = arith.index_cast %parallel_loop3A_121 : i32 to index
      %parallel_loop3A_140 = tpu.vector_load %arg7[%parallel_loop3A_139] {strides = array<i32>} : memref<4096xf32, #tpu.memory_space<vmem>>, vector<16xf32>,
      tpu.vector_store %arg7[%parallel_loop3A_139], %parallel_loop3A_138 {strides = array<i32>} : memref<4096xf32, #tpu.memory_space<vmem>>, vector<16xf32>,
      %parallel_loop3A_141 = arith.cmpf ogt, %parallel_loop3A_138, %parallel_loop3A_117 : vector<16xf32>
      %parallel_loop3A_142 = arith.select %parallel_loop3A_141, %parallel_loop3A_138, %parallel_loop3A_117 : vector<16xi1>, vector<16xf32>
      %parallel_loop3A_143 = arith.addi %mul3A_4, %parallel_loop3A_121 : i32
      %parallel_loop3A_144 = vector.broadcast %parallel_loop3A_143 : i32 to vector<16xi32>
      %parallel_loop3A_145 = arith.addi %parallel_loop3A_144, %iota3A : vector<16xi32>
      %parallel_loop3A_146 = arith.select %parallel_loop3A_141, %parallel_loop3A_145, %parallel_loop3A_118 : vector<16xi1>, vector<16xi32>
      scf.yield %parallel_loop3A_142, %parallel_loop3A_146 : vector<16xf32>, vector<16xi32>
    } {sc.loop_unroll_factor = 8 : i64, sc.parallel_access}
    %reduce_max3A_59 = arith.constant true
    %reduce_max3A_60 = vector.broadcast %reduce_max3A_59 : i1 to vector<16xi1>
    %reduce_max3A_61 = tpu.scan <max>, %parallel_loop3A_58#0 masked %reduce_max3A_60 : vector<16xf32>, vector<16xi1> -> vector<16xf32>
    %reduce_max3A_62 = vector.extract %reduce_max3A_61[15] : f32 from vector<16xf32>
    %eq3A_63 = vector.broadcast %reduce_max3A_62 : f32 to vector<16xf32>
    %eq3A_64 = arith.cmpf oeq, %parallel_loop3A_58#0, %eq3A_63 : vector<16xf32>
    %select_n3A_65 = arith.select %eq3A_64, %parallel_loop3A_58#1, %broadcast_in_dim3A_27 : vector<16xi1>, vector<16xi32>
    %reduce_min3A = arith.constant true
    %reduce_min3A_66 = vector.broadcast %reduce_min3A : i1 to vector<16xi1>
    %reduce_min3A_67 = arith.constant -2147483648 : i32
    %reduce_min3A_68 = vector.broadcast %reduce_min3A_67 : i32 to vector<16xi32>
    %reduce_min3A_69 = arith.xori %select_n3A_65, %reduce_min3A_68 : vector<16xi32>
    %reduce_min3A_70 = tpu.scan <min>, %reduce_min3A_69 masked %reduce_min3A_66 : vector<16xi32>, vector<16xi1> -> vector<16xi32>
    %reduce_min3A_71 = arith.xori %reduce_min3A_70, %reduce_min3A_68 : vector<16xi32>
    %reduce_min3A_72 = vector.extract %reduce_min3A_71[15] : i32 from vector<16xi32>
    %broadcast_in_dim3A_73 = vector.broadcast %reduce_max3A_62 : f32 to vector<16xf32>
    %broadcast_in_dim3A_74 = vector.broadcast %reduce_min3A_72 : i32 to vector<16xi32>
    %rem3A_75 = arith.constant 1 : i32
    %rem3A_76 = arith.constant 2 : i32
    %rem3A_77 = arith.remsi %rem3A_75, %rem3A_76 : i32
    %mul3A_78 = arith.constant 16 : i32
    %mul3A_79 = arith.muli %mul3A_78, %rem3A_77 : i32
    %add3A_80 = arith.addi %arg1, %mul3A_79 : i32
    %mul3A_81 = arith.constant 32 : i32
    %mul3A_82 = arith.muli %add3A_80, %mul3A_81 : i32
    %xor3A = arith.constant 1 : i32
    %xor3A_83 = arith.xori %arg1, %xor3A : i32
    %mul3A_84 = arith.constant 16 : i32
    %mul3A_85 = arith.muli %mul3A_84, %rem3A_77 : i32
    %add3A_86 = arith.addi %xor3A_83, %mul3A_85 : i32
    %mul3A_87 = arith.constant 32 : i32
    %mul3A_88 = arith.muli %add3A_86, %mul3A_87 : i32
    %bitcast3A = vector.bitcast %broadcast_in_dim3A_73 : vector<16xf32> to vector<16xi32>
    %swap3A = arith.constant 0 : index
    %swap3A_89 = tpu.vector_load %arg11[%swap3A] {strides = array<i32>} : memref<32xi32, #tpu.memory_space<vmem>>, vector<16xi32>,
    tpu.vector_store %arg11[%swap3A], %bitcast3A {strides = array<i32>} : memref<32xi32, #tpu.memory_space<vmem>>, vector<16xi32>,
    %swap3A_90 = arith.constant 16 : index
    %swap3A_91 = tpu.vector_load %arg11[%swap3A_90] {strides = array<i32>} : memref<32xi32, #tpu.memory_space<vmem>>, vector<16xi32>,
    tpu.vector_store %arg11[%swap3A_90], %broadcast_in_dim3A_74 {strides = array<i32>} : memref<32xi32, #tpu.memory_space<vmem>>, vector<16xi32>,
    "tpu.region"() ({
      %run_scoped3A = tpu.sem_alloc : memref<!tpu.dma_semaphore, #tpu.memory_space<semaphore_mem>>
      %dma_start3A = tpu.memref_slice %arg12[%mul3A_82] : memref<1024xi32, #tpu.memory_space<vmem_shared>> -> memref<32xi32, #tpu.memory_space<vmem_shared>>
      %dma_start3A_116 = tpu.memref_slice %arg12[%mul3A_82] : memref<1024xi32, #tpu.memory_space<vmem_shared>> -> memref<32xi32, #tpu.memory_space<vmem_shared>>
      tpu.enqueue_dma source(%arg11 : memref<32xi32, #tpu.memory_space<vmem>>) target(%dma_start3A_116 : memref<32xi32, #tpu.memory_space<vmem_shared>>) target_semaphore(%run_scoped3A : memref<!tpu.dma_semaphore, #tpu.memory_space<semaphore_mem>>)
      %dma_wait3A = tpu.memref_slice %arg12[%mul3A_82] : memref<1024xi32, #tpu.memory_space<vmem_shared>> -> memref<32xi32, #tpu.memory_space<vmem_shared>>
      %dma_wait3A_117 = tpu.memref_slice %arg12[%mul3A_82] : memref<1024xi32, #tpu.memory_space<vmem_shared>> -> memref<32xi32, #tpu.memory_space<vmem_shared>>
      tpu.wait_dma2 semaphore(%run_scoped3A : memref<!tpu.dma_semaphore, #tpu.memory_space<semaphore_mem>>) src(%arg11 : memref<32xi32, #tpu.memory_space<vmem>>) dst(%dma_wait3A_117 : memref<32xi32, #tpu.memory_space<vmem_shared>>)
      tpu.yield
    }) : () -> ()
    %barrier3A = arith.constant 0 : index
    tpu.barrier barrier_id(%barrier3A)
    "tpu.region"() ({
      %run_scoped3A = tpu.sem_alloc : memref<!tpu.dma_semaphore, #tpu.memory_space<semaphore_mem>>
      %dma_start3A = tpu.memref_slice %arg12[%mul3A_88] : memref<1024xi32, #tpu.memory_space<vmem_shared>> -> memref<32xi32, #tpu.memory_space<vmem_shared>>
      %dma_start3A_116 = tpu.memref_slice %arg12[%mul3A_88] : memref<1024xi32, #tpu.memory_space<vmem_shared>> -> memref<32xi32, #tpu.memory_space<vmem_shared>>
      tpu.enqueue_dma source(%dma_start3A_116 : memref<32xi32, #tpu.memory_space<vmem_shared>>) target(%arg11 : memref<32xi32, #tpu.memory_space<vmem>>) target_semaphore(%run_scoped3A : memref<!tpu.dma_semaphore, #tpu.memory_space<semaphore_mem>>)
      %dma_wait3A = tpu.memref_slice %arg12[%mul3A_88] : memref<1024xi32, #tpu.memory_space<vmem_shared>> -> memref<32xi32, #tpu.memory_space<vmem_shared>>
      %dma_wait3A_117 = tpu.memref_slice %arg12[%mul3A_88] : memref<1024xi32, #tpu.memory_space<vmem_shared>> -> memref<32xi32, #tpu.memory_space<vmem_shared>>
      tpu.wait_dma2 semaphore(%run_scoped3A : memref<!tpu.dma_semaphore, #tpu.memory_space<semaphore_mem>>) src(%dma_wait3A_117 : memref<32xi32, #tpu.memory_space<vmem_shared>>) dst(%arg11 : memref<32xi32, #tpu.memory_space<vmem>>)
      tpu.yield
    }) : () -> ()
    %get3A_92 = arith.constant 0 : index
    %get3A_93 = tpu.vector_load %arg11[%get3A_92] {strides = array<i32>} : memref<32xi32, #tpu.memory_space<vmem>>, vector<16xi32>,
    %bitcast3A_94 = vector.bitcast %get3A_93 : vector<16xi32> to vector<16xf32>
    %get3A_95 = arith.constant 16 : index
    %get3A_96 = tpu.vector_load %arg11[%get3A_95] {strides = array<i32>} : memref<32xi32, #tpu.memory_space<vmem>>, vector<16xi32>,
    %gt3A = arith.cmpf ogt, %bitcast3A_94, %broadcast_in_dim3A_73 : vector<16xf32>
    %eq3A_97 = arith.cmpf oeq, %bitcast3A_94, %broadcast_in_dim3A_73 : vector<16xf32>
    %lt3A = arith.cmpi slt, %get3A_96, %broadcast_in_dim3A_74 : vector<16xi32>
    %and3A = arith.andi %eq3A_97, %lt3A : vector<16xi1>
    %or3A = arith.ori %gt3A, %and3A : vector<16xi1>
    %select_n3A_98 = arith.select %or3A, %get3A_96, %broadcast_in_dim3A_74 : vector<16xi1>, vector<16xi32>
    %gather3A = tpu.vector_load_idx %arg4[%select_n3A_98] : memref<8192xf32, #tpu.memory_space<vmem>>[vector<16xi32>], vector<16xf32>,
    %gather3A_99 = tpu.vector_load_idx %arg5[%select_n3A_98] : memref<8192xf32, #tpu.memory_space<vmem>>[vector<16xi32>], vector<16xf32>,
    %gather3A_100 = tpu.vector_load_idx %arg6[%select_n3A_98] : memref<8192xf32, #tpu.memory_space<vmem>>[vector<16xi32>], vector<16xf32>,
    %eq3A_101 = arith.constant 0 : i32
    %eq3A_102 = arith.cmpi eq, %rem3A_2, %eq3A_101 : i32
    %convert_element_type3A_103 = arith.extui %eq3A_102 : i1 to i32
    %cond3A_104 = arith.constant 0 : i32
    %cond3A_105 = arith.cmpi ne, %convert_element_type3A_103, %cond3A_104 : i32
    scf.if %cond3A_105 {
      %broadcast_in_dim3A_116 = arith.constant 1 : i32
      %broadcast_in_dim3A_117 = vector.broadcast %broadcast_in_dim3A_116 : i32 to vector<16xi32>
      tpu.vector_store_idx %arg8[%broadcast_in_dim3A_117], %gather3A masked %eq3A_24 : memref<1024xf32, #tpu.memory_space<vmem>>[vector<16xi32>], vector<16xf32>, vector<16xi1>
      tpu.vector_store_idx %arg9[%broadcast_in_dim3A_117], %gather3A_99 masked %eq3A_24 : memref<1024xf32, #tpu.memory_space<vmem>>[vector<16xi32>], vector<16xf32>, vector<16xi1>
      tpu.vector_store_idx %arg10[%broadcast_in_dim3A_117], %gather3A_100 masked %eq3A_24 : memref<1024xf32, #tpu.memory_space<vmem>>[vector<16xi32>], vector<16xf32>, vector<16xi1>
    } else {
    }
    %scan3A = arith.constant 2 : i32
    %scan3A_106 = arith.constant 1022 : i32
    %scan3A_107 = arith.addi %scan3A, %scan3A_106 : i32
    %scan3A_108 = arith.constant 1 : i32
    %scan3A_109:3 = scf.for %scan3A_116 = %scan3A to %scan3A_107 step %scan3A_108 iter_args(%scan3A_117 = %gather3A, %scan3A_118 = %gather3A_99, %scan3A_119 = %gather3A_100) -> (vector<16xf32>, vector<16xf32>, vector<16xf32>)  : i32 {
      %broadcast_in_dim3A_120 = arith.constant -1.000000e+00 : f32
      %broadcast_in_dim3A_121 = vector.broadcast %broadcast_in_dim3A_120 : f32 to vector<16xf32>
      %broadcast_in_dim3A_122 = arith.constant 0 : i32
      %broadcast_in_dim3A_123 = vector.broadcast %broadcast_in_dim3A_122 : i32 to vector<16xi32>
      %parallel_loop3A_124 = arith.constant 0 : i32
      %parallel_loop3A_125 = arith.constant 256 : i32
      %parallel_loop3A_126 = arith.constant 1 : i32
      %parallel_loop3A_127:2 = scf.for %parallel_loop3A_184 = %parallel_loop3A_124 to %parallel_loop3A_125 step %parallel_loop3A_126 iter_args(%parallel_loop3A_185 = %broadcast_in_dim3A_121, %parallel_loop3A_186 = %broadcast_in_dim3A_123) -> (vector<16xf32>, vector<16xi32>)  : i32 {
        %parallel_loop3A_187 = arith.constant 16 : i32
        %parallel_loop3A_188 = arith.muli %parallel_loop3A_184, %parallel_loop3A_187 : i32
        %parallel_loop3A_189 = tpu.assume_multiple %parallel_loop3A_188, 16 : i32
        %parallel_loop3A_190 = arith.addi %mul3A_4, %parallel_loop3A_189 : i32
        %parallel_loop3A_191 = arith.index_cast %parallel_loop3A_190 : i32 to index
        %parallel_loop3A_192 = tpu.vector_load %arg4[%parallel_loop3A_191] {strides = array<i32>} : memref<8192xf32, #tpu.memory_space<vmem>>, vector<16xf32>,
        %parallel_loop3A_193 = arith.addi %mul3A_4, %parallel_loop3A_189 : i32
        %parallel_loop3A_194 = arith.index_cast %parallel_loop3A_193 : i32 to index
        %parallel_loop3A_195 = tpu.vector_load %arg5[%parallel_loop3A_194] {strides = array<i32>} : memref<8192xf32, #tpu.memory_space<vmem>>, vector<16xf32>,
        %parallel_loop3A_196 = arith.addi %mul3A_4, %parallel_loop3A_189 : i32
        %parallel_loop3A_197 = arith.index_cast %parallel_loop3A_196 : i32 to index
        %parallel_loop3A_198 = tpu.vector_load %arg6[%parallel_loop3A_197] {strides = array<i32>} : memref<8192xf32, #tpu.memory_space<vmem>>, vector<16xf32>,
        %parallel_loop3A_199 = arith.subf %parallel_loop3A_192, %scan3A_117 : vector<16xf32>
        %parallel_loop3A_200 = arith.subf %parallel_loop3A_195, %scan3A_118 : vector<16xf32>
        %parallel_loop3A_201 = arith.subf %parallel_loop3A_198, %scan3A_119 : vector<16xf32>
        %parallel_loop3A_202 = arith.mulf %parallel_loop3A_199, %parallel_loop3A_199 : vector<16xf32>
        %parallel_loop3A_203 = arith.mulf %parallel_loop3A_201, %parallel_loop3A_201 : vector<16xf32>
        %parallel_loop3A_204 = arith.addf %parallel_loop3A_202, %parallel_loop3A_203 : vector<16xf32>
        %parallel_loop3A_205 = arith.mulf %parallel_loop3A_200, %parallel_loop3A_200 : vector<16xf32>
        %parallel_loop3A_206 = arith.addf %parallel_loop3A_204, %parallel_loop3A_205 : vector<16xf32>
        %parallel_loop3A_207 = arith.index_cast %parallel_loop3A_189 : i32 to index
        %parallel_loop3A_208 = tpu.vector_load %arg7[%parallel_loop3A_207] {strides = array<i32>} : memref<4096xf32, #tpu.memory_space<vmem>>, vector<16xf32>,
        %parallel_loop3A_209 = arith.minimumf %parallel_loop3A_208, %parallel_loop3A_206 : vector<16xf32>
        %parallel_loop3A_210 = arith.index_cast %parallel_loop3A_189 : i32 to index
        %parallel_loop3A_211 = tpu.vector_load %arg7[%parallel_loop3A_210] {strides = array<i32>} : memref<4096xf32, #tpu.memory_space<vmem>>, vector<16xf32>,
        tpu.vector_store %arg7[%parallel_loop3A_210], %parallel_loop3A_209 {strides = array<i32>} : memref<4096xf32, #tpu.memory_space<vmem>>, vector<16xf32>,
        %parallel_loop3A_212 = arith.cmpf ogt, %parallel_loop3A_209, %parallel_loop3A_185 : vector<16xf32>
        %parallel_loop3A_213 = arith.select %parallel_loop3A_212, %parallel_loop3A_209, %parallel_loop3A_185 : vector<16xi1>, vector<16xf32>
        %parallel_loop3A_214 = arith.addi %mul3A_4, %parallel_loop3A_189 : i32
        %parallel_loop3A_215 = vector.broadcast %parallel_loop3A_214 : i32 to vector<16xi32>
        %parallel_loop3A_216 = arith.addi %parallel_loop3A_215, %iota3A : vector<16xi32>
        %parallel_loop3A_217 = arith.select %parallel_loop3A_212, %parallel_loop3A_216, %parallel_loop3A_186 : vector<16xi1>, vector<16xi32>
        scf.yield %parallel_loop3A_213, %parallel_loop3A_217 : vector<16xf32>, vector<16xi32>
      } {sc.loop_unroll_factor = 8 : i64, sc.parallel_access}
      %reduce_max3A_128 = arith.constant true
      %reduce_max3A_129 = vector.broadcast %reduce_max3A_128 : i1 to vector<16xi1>
      %reduce_max3A_130 = tpu.scan <max>, %parallel_loop3A_127#0 masked %reduce_max3A_129 : vector<16xf32>, vector<16xi1> -> vector<16xf32>
      %reduce_max3A_131 = vector.extract %reduce_max3A_130[15] : f32 from vector<16xf32>
      %eq3A_132 = vector.broadcast %reduce_max3A_131 : f32 to vector<16xf32>
      %eq3A_133 = arith.cmpf oeq, %parallel_loop3A_127#0, %eq3A_132 : vector<16xf32>
      %select_n3A_134 = arith.select %eq3A_133, %parallel_loop3A_127#1, %broadcast_in_dim3A_27 : vector<16xi1>, vector<16xi32>
      %reduce_min3A_135 = arith.constant true
      %reduce_min3A_136 = vector.broadcast %reduce_min3A_135 : i1 to vector<16xi1>
      %reduce_min3A_137 = arith.constant -2147483648 : i32
      %reduce_min3A_138 = vector.broadcast %reduce_min3A_137 : i32 to vector<16xi32>
      %reduce_min3A_139 = arith.xori %select_n3A_134, %reduce_min3A_138 : vector<16xi32>
      %reduce_min3A_140 = tpu.scan <min>, %reduce_min3A_139 masked %reduce_min3A_136 : vector<16xi32>, vector<16xi1> -> vector<16xi32>
      %reduce_min3A_141 = arith.xori %reduce_min3A_140, %reduce_min3A_138 : vector<16xi32>
      %reduce_min3A_142 = vector.extract %reduce_min3A_141[15] : i32 from vector<16xi32>
      %broadcast_in_dim3A_143 = vector.broadcast %reduce_max3A_131 : f32 to vector<16xf32>
      %broadcast_in_dim3A_144 = vector.broadcast %reduce_min3A_142 : i32 to vector<16xi32>
      %rem3A_145 = arith.constant 2 : i32
      %rem3A_146 = arith.remsi %scan3A_116, %rem3A_145 : i32
      %mul3A_147 = arith.constant 16 : i32
      %mul3A_148 = arith.muli %mul3A_147, %rem3A_146 : i32
      %add3A_149 = arith.addi %arg1, %mul3A_148 : i32
      %mul3A_150 = arith.constant 32 : i32
      %mul3A_151 = arith.muli %add3A_149, %mul3A_150 : i32
      %xor3A_152 = arith.constant 1 : i32
      %xor3A_153 = arith.xori %arg1, %xor3A_152 : i32
      %mul3A_154 = arith.constant 16 : i32
      %mul3A_155 = arith.muli %mul3A_154, %rem3A_146 : i32
      %add3A_156 = arith.addi %xor3A_153, %mul3A_155 : i32
      %mul3A_157 = arith.constant 32 : i32
      %mul3A_158 = arith.muli %add3A_156, %mul3A_157 : i32
      %bitcast3A_159 = vector.bitcast %broadcast_in_dim3A_143 : vector<16xf32> to vector<16xi32>
      %swap3A_160 = arith.constant 0 : index
      %swap3A_161 = tpu.vector_load %arg11[%swap3A_160] {strides = array<i32>} : memref<32xi32, #tpu.memory_space<vmem>>, vector<16xi32>,
      tpu.vector_store %arg11[%swap3A_160], %bitcast3A_159 {strides = array<i32>} : memref<32xi32, #tpu.memory_space<vmem>>, vector<16xi32>,
      %swap3A_162 = arith.constant 16 : index
      %swap3A_163 = tpu.vector_load %arg11[%swap3A_162] {strides = array<i32>} : memref<32xi32, #tpu.memory_space<vmem>>, vector<16xi32>,
      tpu.vector_store %arg11[%swap3A_162], %broadcast_in_dim3A_144 {strides = array<i32>} : memref<32xi32, #tpu.memory_space<vmem>>, vector<16xi32>,
      "tpu.region"() ({
        %run_scoped3A = tpu.sem_alloc : memref<!tpu.dma_semaphore, #tpu.memory_space<semaphore_mem>>
        %dma_start3A = tpu.memref_slice %arg12[%mul3A_151] : memref<1024xi32, #tpu.memory_space<vmem_shared>> -> memref<32xi32, #tpu.memory_space<vmem_shared>>
        %dma_start3A_184 = tpu.memref_slice %arg12[%mul3A_151] : memref<1024xi32, #tpu.memory_space<vmem_shared>> -> memref<32xi32, #tpu.memory_space<vmem_shared>>
        tpu.enqueue_dma source(%arg11 : memref<32xi32, #tpu.memory_space<vmem>>) target(%dma_start3A_184 : memref<32xi32, #tpu.memory_space<vmem_shared>>) target_semaphore(%run_scoped3A : memref<!tpu.dma_semaphore, #tpu.memory_space<semaphore_mem>>)
        %dma_wait3A = tpu.memref_slice %arg12[%mul3A_151] : memref<1024xi32, #tpu.memory_space<vmem_shared>> -> memref<32xi32, #tpu.memory_space<vmem_shared>>
        %dma_wait3A_185 = tpu.memref_slice %arg12[%mul3A_151] : memref<1024xi32, #tpu.memory_space<vmem_shared>> -> memref<32xi32, #tpu.memory_space<vmem_shared>>
        tpu.wait_dma2 semaphore(%run_scoped3A : memref<!tpu.dma_semaphore, #tpu.memory_space<semaphore_mem>>) src(%arg11 : memref<32xi32, #tpu.memory_space<vmem>>) dst(%dma_wait3A_185 : memref<32xi32, #tpu.memory_space<vmem_shared>>)
        tpu.yield
      }) : () -> ()
      %barrier3A_164 = arith.constant 0 : index
      tpu.barrier barrier_id(%barrier3A_164)
      "tpu.region"() ({
        %run_scoped3A = tpu.sem_alloc : memref<!tpu.dma_semaphore, #tpu.memory_space<semaphore_mem>>
        %dma_start3A = tpu.memref_slice %arg12[%mul3A_158] : memref<1024xi32, #tpu.memory_space<vmem_shared>> -> memref<32xi32, #tpu.memory_space<vmem_shared>>
        %dma_start3A_184 = tpu.memref_slice %arg12[%mul3A_158] : memref<1024xi32, #tpu.memory_space<vmem_shared>> -> memref<32xi32, #tpu.memory_space<vmem_shared>>
        tpu.enqueue_dma source(%dma_start3A_184 : memref<32xi32, #tpu.memory_space<vmem_shared>>) target(%arg11 : memref<32xi32, #tpu.memory_space<vmem>>) target_semaphore(%run_scoped3A : memref<!tpu.dma_semaphore, #tpu.memory_space<semaphore_mem>>)
        %dma_wait3A = tpu.memref_slice %arg12[%mul3A_158] : memref<1024xi32, #tpu.memory_space<vmem_shared>> -> memref<32xi32, #tpu.memory_space<vmem_shared>>
        %dma_wait3A_185 = tpu.memref_slice %arg12[%mul3A_158] : memref<1024xi32, #tpu.memory_space<vmem_shared>> -> memref<32xi32, #tpu.memory_space<vmem_shared>>
        tpu.wait_dma2 semaphore(%run_scoped3A : memref<!tpu.dma_semaphore, #tpu.memory_space<semaphore_mem>>) src(%dma_wait3A_185 : memref<32xi32, #tpu.memory_space<vmem_shared>>) dst(%arg11 : memref<32xi32, #tpu.memory_space<vmem>>)
        tpu.yield
      }) : () -> ()
      %get3A_165 = arith.constant 0 : index
      %get3A_166 = tpu.vector_load %arg11[%get3A_165] {strides = array<i32>} : memref<32xi32, #tpu.memory_space<vmem>>, vector<16xi32>,
      %bitcast3A_167 = vector.bitcast %get3A_166 : vector<16xi32> to vector<16xf32>
      %get3A_168 = arith.constant 16 : index
      %get3A_169 = tpu.vector_load %arg11[%get3A_168] {strides = array<i32>} : memref<32xi32, #tpu.memory_space<vmem>>, vector<16xi32>,
      %gt3A_170 = arith.cmpf ogt, %bitcast3A_167, %broadcast_in_dim3A_143 : vector<16xf32>
      %eq3A_171 = arith.cmpf oeq, %bitcast3A_167, %broadcast_in_dim3A_143 : vector<16xf32>
      %lt3A_172 = arith.cmpi slt, %get3A_169, %broadcast_in_dim3A_144 : vector<16xi32>
      %and3A_173 = arith.andi %eq3A_171, %lt3A_172 : vector<16xi1>
      %or3A_174 = arith.ori %gt3A_170, %and3A_173 : vector<16xi1>
      %select_n3A_175 = arith.select %or3A_174, %get3A_169, %broadcast_in_dim3A_144 : vector<16xi1>, vector<16xi32>
      %gather3A_176 = tpu.vector_load_idx %arg4[%select_n3A_175] : memref<8192xf32, #tpu.memory_space<vmem>>[vector<16xi32>], vector<16xf32>,
      %gather3A_177 = tpu.vector_load_idx %arg5[%select_n3A_175] : memref<8192xf32, #tpu.memory_space<vmem>>[vector<16xi32>], vector<16xf32>,
      %gather3A_178 = tpu.vector_load_idx %arg6[%select_n3A_175] : memref<8192xf32, #tpu.memory_space<vmem>>[vector<16xi32>], vector<16xf32>,
      %eq3A_179 = arith.constant 0 : i32
      %eq3A_180 = arith.cmpi eq, %rem3A_2, %eq3A_179 : i32
      %convert_element_type3A_181 = arith.extui %eq3A_180 : i1 to i32
      %cond3A_182 = arith.constant 0 : i32
      %cond3A_183 = arith.cmpi ne, %convert_element_type3A_181, %cond3A_182 : i32
      scf.if %cond3A_183 {
        %broadcast_in_dim3A_184 = vector.broadcast %scan3A_116 : i32 to vector<16xi32>
        tpu.vector_store_idx %arg8[%broadcast_in_dim3A_184], %gather3A_176 masked %eq3A_24 : memref<1024xf32, #tpu.memory_space<vmem>>[vector<16xi32>], vector<16xf32>, vector<16xi1>
        tpu.vector_store_idx %arg9[%broadcast_in_dim3A_184], %gather3A_177 masked %eq3A_24 : memref<1024xf32, #tpu.memory_space<vmem>>[vector<16xi32>], vector<16xf32>, vector<16xi1>
        tpu.vector_store_idx %arg10[%broadcast_in_dim3A_184], %gather3A_178 masked %eq3A_24 : memref<1024xf32, #tpu.memory_space<vmem>>[vector<16xi32>], vector<16xf32>, vector<16xi1>
      } else {
      }
      scf.yield %gather3A_176, %gather3A_177, %gather3A_178 : vector<16xf32>, vector<16xf32>, vector<16xf32>
    }
    %scan3A_110 = arith.constant 1022 : i32
    %eq3A_111 = arith.constant 0 : i32
    %eq3A_112 = arith.cmpi eq, %rem3A_2, %eq3A_111 : i32
    %convert_element_type3A_113 = arith.extui %eq3A_112 : i1 to i32
    %cond3A_114 = arith.constant 0 : i32
    %cond3A_115 = arith.cmpi ne, %convert_element_type3A_113, %cond3A_114 : i32
    scf.if %cond3A_115 {
      %mul3A_116 = arith.constant 3 : i32
      %mul3A_117 = arith.muli %add3A, %mul3A_116 : i32
      %add3A_118 = arith.constant 0 : i32
      %add3A_119 = arith.addi %mul3A_117, %add3A_118 : i32
      %mul3A_120 = arith.constant 1024 : i32
      %mul3A_121 = arith.muli %add3A_119, %mul3A_120 : i32
      "tpu.region"() ({
        %run_scoped3A = tpu.sem_alloc : memref<!tpu.dma_semaphore, #tpu.memory_space<semaphore_mem>>
        %dma_start3A = tpu.memref_slice %arg3[%mul3A_121] : memref<49152xf32, #tpu.memory_space<hbm>> -> memref<1024xf32, #tpu.memory_space<hbm>>
        %dma_start3A_134 = tpu.memref_slice %arg3[%mul3A_121] : memref<49152xf32, #tpu.memory_space<hbm>> -> memref<1024xf32, #tpu.memory_space<hbm>>
        tpu.enqueue_dma source(%arg8 : memref<1024xf32, #tpu.memory_space<vmem>>) target(%dma_start3A_134 : memref<1024xf32, #tpu.memory_space<hbm>>) target_semaphore(%run_scoped3A : memref<!tpu.dma_semaphore, #tpu.memory_space<semaphore_mem>>)
        %dma_wait3A = tpu.memref_slice %arg3[%mul3A_121] : memref<49152xf32, #tpu.memory_space<hbm>> -> memref<1024xf32, #tpu.memory_space<hbm>>
        %dma_wait3A_135 = tpu.memref_slice %arg3[%mul3A_121] : memref<49152xf32, #tpu.memory_space<hbm>> -> memref<1024xf32, #tpu.memory_space<hbm>>
        tpu.wait_dma2 semaphore(%run_scoped3A : memref<!tpu.dma_semaphore, #tpu.memory_space<semaphore_mem>>) src(%arg8 : memref<1024xf32, #tpu.memory_space<vmem>>) dst(%dma_wait3A_135 : memref<1024xf32, #tpu.memory_space<hbm>>)
        tpu.yield
      }) : () -> ()
      %mul3A_122 = arith.constant 3 : i32
      %mul3A_123 = arith.muli %add3A, %mul3A_122 : i32
      %add3A_124 = arith.constant 1 : i32
      %add3A_125 = arith.addi %mul3A_123, %add3A_124 : i32
      %mul3A_126 = arith.constant 1024 : i32
      %mul3A_127 = arith.muli %add3A_125, %mul3A_126 : i32
      "tpu.region"() ({
        %run_scoped3A = tpu.sem_alloc : memref<!tpu.dma_semaphore, #tpu.memory_space<semaphore_mem>>
        %dma_start3A = tpu.memref_slice %arg3[%mul3A_127] : memref<49152xf32, #tpu.memory_space<hbm>> -> memref<1024xf32, #tpu.memory_space<hbm>>
        %dma_start3A_134 = tpu.memref_slice %arg3[%mul3A_127] : memref<49152xf32, #tpu.memory_space<hbm>> -> memref<1024xf32, #tpu.memory_space<hbm>>
        tpu.enqueue_dma source(%arg9 : memref<1024xf32, #tpu.memory_space<vmem>>) target(%dma_start3A_134 : memref<1024xf32, #tpu.memory_space<hbm>>) target_semaphore(%run_scoped3A : memref<!tpu.dma_semaphore, #tpu.memory_space<semaphore_mem>>)
        %dma_wait3A = tpu.memref_slice %arg3[%mul3A_127] : memref<49152xf32, #tpu.memory_space<hbm>> -> memref<1024xf32, #tpu.memory_space<hbm>>
        %dma_wait3A_135 = tpu.memref_slice %arg3[%mul3A_127] : memref<49152xf32, #tpu.memory_space<hbm>> -> memref<1024xf32, #tpu.memory_space<hbm>>
        tpu.wait_dma2 semaphore(%run_scoped3A : memref<!tpu.dma_semaphore, #tpu.memory_space<semaphore_mem>>) src(%arg9 : memref<1024xf32, #tpu.memory_space<vmem>>) dst(%dma_wait3A_135 : memref<1024xf32, #tpu.memory_space<hbm>>)
        tpu.yield
      }) : () -> ()
      %mul3A_128 = arith.constant 3 : i32
      %mul3A_129 = arith.muli %add3A, %mul3A_128 : i32
      %add3A_130 = arith.constant 2 : i32
      %add3A_131 = arith.addi %mul3A_129, %add3A_130 : i32
      %mul3A_132 = arith.constant 1024 : i32
      %mul3A_133 = arith.muli %add3A_131, %mul3A_132 : i32
      "tpu.region"() ({
        %run_scoped3A = tpu.sem_alloc : memref<!tpu.dma_semaphore, #tpu.memory_space<semaphore_mem>>
        %dma_start3A = tpu.memref_slice %arg3[%mul3A_133] : memref<49152xf32, #tpu.memory_space<hbm>> -> memref<1024xf32, #tpu.memory_space<hbm>>
        %dma_start3A_134 = tpu.memref_slice %arg3[%mul3A_133] : memref<49152xf32, #tpu.memory_space<hbm>> -> memref<1024xf32, #tpu.memory_space<hbm>>
        tpu.enqueue_dma source(%arg10 : memref<1024xf32, #tpu.memory_space<vmem>>) target(%dma_start3A_134 : memref<1024xf32, #tpu.memory_space<hbm>>) target_semaphore(%run_scoped3A : memref<!tpu.dma_semaphore, #tpu.memory_space<semaphore_mem>>)
        %dma_wait3A = tpu.memref_slice %arg3[%mul3A_133] : memref<49152xf32, #tpu.memory_space<hbm>> -> memref<1024xf32, #tpu.memory_space<hbm>>
        %dma_wait3A_135 = tpu.memref_slice %arg3[%mul3A_133] : memref<49152xf32, #tpu.memory_space<hbm>> -> memref<1024xf32, #tpu.memory_space<hbm>>
        tpu.wait_dma2 semaphore(%run_scoped3A : memref<!tpu.dma_semaphore, #tpu.memory_space<semaphore_mem>>) src(%arg10 : memref<1024xf32, #tpu.memory_space<vmem>>) dst(%dma_wait3A_135 : memref<1024xf32, #tpu.memory_space<hbm>>)
        tpu.yield
      }) : () -> ()
    } else {
    }
    return
  }
}

</mosaic_0001>

<sc_bundles>
// kernel: _fps.3.cloned.1.call-start
scs
__scs_entry_jumppad:
0x0: {  	(pc) =	sbr.rel $0x88, $3  }
0x1: {  	(tag) =	ssettag $0x0;
	lr =	simm.s32 $0x1  }
0x2: {  	[smem:$0x3FA0] =	sst lr;
	_ =	strace $0xD0000000  }
0x3: {  	_ = 	snop  }
0x4: {  	_ = 	snop  }
0x5: {  	_ = 	snop  }
0x6: {  	_ = 	snop  }
0x7: {  	_ = 	snop  }
__scs_overlays_trampoline_lowered:
0x8: {  	[smem:$0x3FAF] =	sst s0  }
0x9: {  	[smem:$0x3FB0] =	sst s1  }
0xa: {  	[smem:$0x3FB1] =	sst s2  }
0xb: {  	[smem:$0x3FB2] =	sst s3  }
0xc: {  	[smem:$0x3FB3] =	sst s4  }
0xd: {  	[smem:$0x3FB4] =	sst s5  }
0xe: {  	[smem:$0x3FB5] =	sst s6  }
0xf: {  	[smem:$0x3FB6] =	sst s7  }
0x10: {  	[smem:$0x3FB7] =	sst s8  }
0x11: {  	[smem:$0x3FB8] =	sst s9;
	s0 =	simm.s32 @!p0 $0x0  }
0x12: {  	s1 =	sld [smem:$0x3F9E];
	s0 =	simm.s32 @p0 $0x1  }
0x13: {  	[smem:$0x3FB9] =	sst s0;
	s0 =	simm.s32 @!p1 $0x0  }
0x14: {  	s2 =	sld [smem:$0x3F9D];
	s0 =	simm.s32 @p1 $0x1  }
0x15: {  	[smem:$0x3FBA] =	sst s0;
	s0 =	simm.s32 @!p2 $0x0  }
0x16: {  	s3 =	sld [smem:$0x3FDB];
	s0 =	simm.s32 @p2 $0x1  }
0x17: {  	s4 =	simm.s32 $0x1BF5;
	[smem:$0x3FBC] =	sst s0  }
0x18: {  	s0 =	sld [smem:$0x3F9F];
	_ =	swait.ge [sflag:s4], $0x0  }
0x19: {  	s7 =	sld [smem:$0x3FA0]  }
0x1a: {  	s8 =	sadd.s32 $0xFFFFE003, lr  }
0x1b: {  	s9 =	sadd.s32 $0xFFFFFEF7, lr;
	s5 =	simm.s32 $0xFFFFFFFF;
	p2 =	slt.u32 s8, $0xFFFFF086  }
0x1c: {  	p1 =	slt.u32 s9, $0xF7A;
	s5 =	simm.s32 @!p2 $0x0  }
0x1d: {  	s5 =	simm.s32 @p1 $0x1;
	p0 =	seq.s32 s7, s2  }
0x1e: {  	s7 =	smul.u32 @!p0 $0xF7A, s2;
	p2 =	seq.s32 @!p0 s5, $0x0  }
0x1f: {  	s9 =	smul.u32 $0xF7A, s1;
	s8 =	simm.s32 @!p0 $0x1BF5;
	p2 =	por !p2, p0  }
0x20: {  	[sflag:s8] =	ssyncset.s32 @!p0 $0xFFFFF086;
	s6 =	sadd.s32 @!p0 s3, s7;
	s7 =	simm.s32 @!p0 $0x108  }
0x21: {  	s3 =	sadd.s32 s3, s9;
	s6 =	sadd.s32 @!p0 $0x88, s6;
	s7 =	simm.s32 @p2 $0x1082  }
0x22: {  	[simem:s7], [sflag:s8] =	dma.local @!p0 [hbm:s6], $0xF7A  }
0x23: {  	s9 =	sor.u32 $0xD0000000, s2;
	s6 =	simm.s32 $0x108;
	_ =	swait.ge @!p0 [sflag:s8], $0x0  }
0x24: {  	s3 =	sadd.s32 $0x88, s3;
	s6 =	simm.s32 @!p1 $0x1082;
	[sflag:s4] =	ssyncset.s32 $0xFFFFF086  }
0x25: {  	[simem:s6], [sflag:s4] =	dma.local [hbm:s3], $0xF7A  }
0x26: {  	[smem:$0x3FA0] =	sst s1;
	(tag) =	ssettag s2;
	_ =	strace s9  }
0x27: {  	s1 =	sld [smem:$0x3FB0]  }
0x28: {  	s2 =	sld [smem:$0x3FB1]  }
0x29: {  	s4 =	sld [smem:$0x3FB3]  }
0x2a: {  	p0 =	seq.s32 s5, $0x0;
	s5 =	sld [smem:$0x3FB4]  }
0x2b: {  	s6 =	sld [smem:$0x3FB5]  }
0x2c: {  	s7 =	sld [smem:$0x3FB6]  }
0x2d: {  	s3 =	simm.s32 $0x108;
	s8 =	sld [smem:$0x3FB7]  }
0x2e: {  	s3 =	simm.s32 @!p0 $0x1082;
	s9 =	sld [smem:$0x3FB8]  }
0x2f: {  	lr =	sadd.s32 s0, s3;
	s0 =	sld [smem:$0x3FAF]  }
0x30: {  	s3 =	sld [smem:$0x3FB2]  }
0x31: {  	[smem:$0x3FBB] =	sst s10  }
0x32: {  	s10 =	sld [smem:$0x3FB9];
	_ =	sdelay $0x3  }
0x33: {  	p0 =	seq.s32 s10, $0x1;
	s10 =	sld [smem:$0x3FBB];
	_ =	sdelay $0x3  }
0x34: {  	[smem:$0x3FBB] =	sst s10  }
0x35: {  	s10 =	sld [smem:$0x3FBA];
	_ =	sdelay $0x3  }
0x36: {  	p1 =	seq.s32 s10, $0x1;
	s10 =	sld [smem:$0x3FBB];
	_ =	sdelay $0x3  }
0x37: {  	[smem:$0x3FBB] =	sst s10  }
0x38: {  	s10 =	sld [smem:$0x3FBC]  }
0x39: {  	_ = 	snop;
	(pc) =	sbr.ind lr, $3  }
0x3a: {  	_ = 	snop  }
0x3b: {  	_ = 	snop  }
0x3c: {  	p2 =	seq.s32 s10, $0x1;
	s10 =	sld [smem:$0x3FBB]  }
0x3d: {  	_ =	shalt  }
0x3e: {  	_ =	shalt  }
0x3f: {  	_ =	shalt  }
0x40: {  	_ =	shalt  }
0x41: {  	_ =	shalt  }
0x42: {  	_ =	shalt  }
0x43: {  	_ =	shalt  }
0x44: {  	_ =	shalt  }
0x45: {  	_ =	shalt  }
0x46: {  	_ =	shalt  }
0x47: {  	_ =	shalt  }
0x48: {  	_ =	shalt  }
0x49: {  	_ =	shalt  }
0x4a: {  	_ =	shalt  }
0x4b: {  	_ =	shalt  }
0x4c: {  	_ =	shalt  }
0x4d: {  	_ =	shalt  }
0x4e: {  	_ =	shalt  }
0x4f: {  	_ =	shalt  }
0x50: {  	_ =	shalt  }
0x51: {  	_ =	shalt  }
0x52: {  	_ =	shalt  }
0x53: {  	_ =	shalt  }
0x54: {  	_ =	shalt  }
0x55: {  	_ =	shalt  }
0x56: {  	_ =	shalt  }
0x57: {  	_ =	shalt  }
0x58: {  	_ =	shalt  }
0x59: {  	_ =	shalt  }
0x5a: {  	_ =	shalt  }
0x5b: {  	_ =	shalt  }
0x5c: {  	_ =	shalt  }
0x5d: {  	_ =	shalt  }
0x5e: {  	_ =	shalt  }
0x5f: {  	_ =	shalt  }
0x60: {  	_ =	shalt  }
0x61: {  	_ =	shalt  }
0x62: {  	_ =	shalt  }
0x63: {  	_ =	shalt  }
0x64: {  	_ =	shalt  }
0x65: {  	_ =	shalt  }
0x66: {  	_ =	shalt  }
0x67: {  	_ =	shalt  }
0x68: {  	_ =	shalt  }
0x69: {  	_ =	shalt  }
0x6a: {  	_ =	shalt  }
0x6b: {  	_ =	shalt  }
0x6c: {  	_ =	shalt  }
0x6d: {  	_ =	shalt  }
0x6e: {  	_ =	shalt  }
0x6f: {  	_ =	shalt  }
0x70: {  	_ =	shalt  }
0x71: {  	_ =	shalt  }
0x72: {  	_ =	shalt  }
0x73: {  	_ =	shalt  }
0x74: {  	_ =	shalt  }
0x75: {  	_ =	shalt  }
0x76: {  	_ =	shalt  }
0x77: {  	_ =	shalt  }
0x78: {  	_ =	shalt  }
0x79: {  	_ =	shalt  }
0x7a: {  	_ =	shalt  }
0x7b: {  	_ =	shalt  }
0x7c: {  	_ =	shalt  }
0x7d: {  	_ =	shalt  }
0x7e: {  	_ =	shalt  }
0x7f: {  	_ =	shalt  }
0x80: {  	_ =	shalt  }
0x81: {  	_ =	shalt  }
0x82: {  	_ =	shalt  }
0x83: {  	_ =	shalt  }
0x84: {  	_ =	shalt  }
0x85: {  	_ =	shalt  }
0x86: {  	_ =	shalt  }
0x87: {  	_ =	shalt  }
.Lfunc_end0:
.L_simem_size_0:
called_computation_lowered:
.L_overlay_start_0:
0x88: {  	s2 =	sld [smem:$0x3FD9]  }
0x89: {  	s3 =	sld [smem:$0x3FFE];
	_ =	sdelay $0x1  }
0x8a: {  	s1 =	srdreg.scid  }
0x8b: {  	s0 =	sand.u32 $0x1, s1  }
0x8c: {  	s18 =	sshll.u32 s0, $0xA;
	s2 =	sadd.s32 s3, s2  }
0x8d: {  	s2 =	sadd.s32 s2, s18  }
0x8e: {  	[smem:$0x3FC7] =	sst s2  }
0x8f: {  	_ = 	snop  }
0x90: {  	s2 =	sld [smem:$0x3FC9]  }
0x91: {  	s19 =	sld [smem:$0x3FD0];
	(tm) =	ssettm $0x1  }
0x92: {  	s4 =	sld [smem:$0x3FFB];
	_ =	sdelay $0x3  }
0x93: {  	_ =	strace s4  }
0x94: {  	s4 =	sld [smem:$0x3FFC];
	_ =	sdelay $0x3  }
0x95: {  	_ =	strace s4  }
0x96: {  	s4 =	sld [smem:$0x3FFD];
	_ =	sdelay $0x3  }
0x97: {  	_ =	strace s4  }
0x98: {  	_ =	strace $0x8FFFFFFF  }
0x99: {  	s20 =	sld [smem:$0x3FDB];
	_ =	sdelay $0x1  }
0x9a: {  	s5 =	simm.s32 $_scs_section_size  }
0x9b: {  	s6 =	simm.s32 $_size__tile_overlayer_lowered;
	s7 =	simm.s32 $_tile_overlayer_lowered  }
0x9c: {  	s23 =	simm.s32 $0x1BFF;
	s22 =	sshll.u32 s7, $0x1;
	s4 =	sadd.s32 s5, s20  }
0x9d: {  	s8 =	simm.s32 $0x0;
	s21 =	sshll.u32 s6, $0x1;
	s6 =	sadd.s32 s22, s4  }
0x9e: {  	[timem:s8], [sflag:s23] =	dma.local [hbm:s6], s21  }
0x9f: {  	_ =	swait.ge [sflag:s23], s21  }
0xa0: {  	s5 =	ssub.s32 $0x0, s21;
	[sflag:s23] =	ssyncset.done $0x0  }
0xa1: {  	[sflag:s23] =	ssyncadd.s32 s5;
	_ =	sdelay $0x1  }
0xa2: {  	s24 =	simm.s32 $0x1B8B  }
0xa3: {  	_ =	swait.ge [sflag:s24], $0x1  }
0xa4: {  	[sflag:s24] =	ssyncset.done $0x0  }
0xa5: {  	s25 =	simm.s32 $0x1B8E;
	[sflag:s24] =	ssyncadd.s32 $0xFFFFFFFF  }
0xa6: {  	s26 =	simm.s32 $execute0_lowered;
	[smem:$0x3FD2] =	sst s25  }
0xa7: {  	s5 =	sshll.u32 s26, $0x1;
	_ =	strace $0x80000046;
	[dreg:$0x1] =	wrdreg $0xFFFFFFFF  }
0xa8: {  	s28 =	simm.s32 $_size_execute0_lowered;
	s4 =	sadd.s32 s4, s5;
	[dreg:$0x0] =	wrdreg $0x0  }
0xa9: {  	s5 =	sshll.u32 s28, $0x1;
	[dreg:$0x2] =	wrdreg s4  }
0xaa: {  	[dreg:$0x3] =	wrdreg s5  }
0xab: {  	[dreg:$0x4] =	wrdreg $0xC0  }
0xac: {  	_ =	task [dreg:s8], $0x5FFFF  }
0xad: {  	[dreg:$0x1] =	wrdreg $0xFFFFFFFF  }
0xae: {  	[dreg:$0x0] =	wrdreg $0x60  }
0xaf: {  	[dreg:$0x2] =	wrdreg s2  }
0xb0: {  	[dreg:$0x3] =	wrdreg s19  }
0xb1: {  	[dreg:$0x4] =	wrdreg $0x7C800  }
0xb2: {  	[dreg:$0x5] =	wrdreg $0x9  }
0xb3: {  	_ =	task.clear_ibuf [dreg:s8], $0x6FFFF;
	_ =	strace $0x90000046  }
0xb4: {  	s29 =	simm.s32 $0x9;
	_ =	strace $0x80000048  }
0xb5: {  	_ =	swait.ge [sflag:s29], $0x1  }
0xb6: {  	[sflag:s29] =	ssyncadd.s32 $0xFFFFFFFF  }
0xb7: {  	_ =	strace $0x90000048  }
0xb8: {  	_ =	sfence  }
0xb9: {  	s30 =	sld [smem:$0x0];
	_ =	sdelay $0x2  }
0xba: {  	s31 =	sshll.u32 s1, $0xD;
	s1 =	sshrl.u32 s1, $0x2  }
0xbb: {  	s3 =	sand.u32 $0x4000, s31;
	s1 =	sadd.s32 s1, s30  }
0xbc: {  	s0 =	sor.u32 s3, s0;
	s1 =	sshll.u32 s1, $0x11  }
0xbd: {  	s0 =	sor.u32 s1, s0  }
0xbe: {  	s0 =	sadd.s32 $0x8F2B, s0  }
0xbf: {  	[sflag:s0] =	ssyncadd.remote.s32 $0x1  }
0xc0: {  	_ =	sfence.sel $0xFFFF  }
0xc1: {  	[dreg:$0x0] =	wrdreg $0xFFFFFFFF;
	(pc) =	sbr.abs _section_cstart, $3  }
0xc2: {  	[dreg:$0x1] =	wrdreg $0xFFFFFFFF  }
0xc3: {  	_ =	task.clear_ibuf [dreg:s8], $0x2FFFF;
	_ =	strace $0x9FFFFFFF  }
0xc4: {  	(tm) =	ssettm $0x7FFFFFFF  }
0xc5: {  	_ =	shalt  }
tec
execute0_lowered:
.L_overlay_start_1:
0x0: {  	(tag) =	ssettag $0x1  }
0x1: {  	s0 =	rddreg [dreg:$0x0]  }
0x2: {  	s4 =	rddreg [dreg:$0x1]  }
0x3: {  	s2 =	rddreg [dreg:$0x2]  }
0x4: {  	s3 =	srdreg.scid;
	s1 =	stileid.u32  }
0x5: {  	s18 =	simm.s32 $0x1;
	s19 =	simm.s32 $0x2000;
	s20 =	simm.s32 $0x4000  }
0x6: {  	s5 =	sand.u32 $0x1, s3;
	s3 =	simm.s32 $0x0;
	s7 =	sshrl.u32 s1, $0x1  }
0x7: {  	s10 =	sand.u32 $0x1, s1;
	s25 =	sshll.u32 s1, $0x5;
	s6 =	sshll.u32 s5, $0x3  }
0x8: {  	[smem:$0x7FF] =	sst s3;
	s5 =	ssub.s32 $0x2, s5;
	s7 =	sor.u32 s7, s6  }
0x9: {  	s12 =	sshll.u32 s10, $0xC;
	p0 =	sne.s32 s10, $0x0;
	s6 =	smul.u32 $0x3, s7  }
0xa: {  	_ =	strace $0x80000047;
	s8 =	sshrl.u32 s5, $0x1;
	s9 =	smul.u32 $0xC00, s7  }
0xb: {  	s16 =	sor.u32 $0x2040, s12;
	s5 =	ssub.s32 s5, s8;
	s7 =	smul.u32 $0x180, s7  }
0xc: {  	s11 =	sadd.s32 $0x1, s6;
	s21 =	sadd.s32 s0, s9;
	s13 =	sadd.s32 $0x2, s6  }
0xd: {  	s6 =	sxor.u32 $0x1, s1;
	s7 =	sadd.s32 s4, s7;
	[dreg:$0x4] =	wrdreg s21  }
0xe: {  	s22 =	sshll.u32 s11, $0xA;
	s24 =	sshll.u32 s13, $0xA;
	s26 =	sshll.u32 s6, $0x5  }
0xf: {  	s30 =	sshll.u32 s11, $0x7;
	[dreg:$0x9] =	wrdreg s7;
	s31 =	sshll.u32 s13, $0x7  }
0x10: {  	s13 =	smax.u32 s5, $0x1;
	s11 =	sor.u32 $0x70, s12;
	s23 =	sadd.s32 s0, s22  }
0x11: {  	s5 =	sor.u32 $0x40, s12;
	s0 =	sadd.s32 s0, s24;
	[dreg:$0x5] =	wrdreg s23  }
0x12: {  	s7 =	sor.u32 $0x4040, s12;
	s28 =	sadd.s32 s26, s2;
	[dreg:$0x6] =	wrdreg s0  }
.Ltmp0:
0x13: {  	s0 =	sadd.s32 s25, s2;
	s29 =	sadd.s32 $0x200, s28;
	(pc) =	sbr.rel .LBB2_1-.Ltmp0, $4  }
0x14: {  	s21 =	simm.s32 $0x7C00;
	s0 =	sadd.s32 $0x200, s0;
	[dreg:$0x8] =	wrdreg s29  }
0x15: {  	s22 =	simm.s32 $0x7000;
	[dreg:$0x7] =	wrdreg s0;
	s0 =	sadd.s32 s4, s30  }
0x16: {  	s24 =	simm.s32 $0x7800;
	[dreg:$0xa] =	wrdreg s0;
	s0 =	sadd.s32 s4, s31  }
0x17: {  	vm0 =	vmmov $0x1;
	v0 =	vlaneseq.u32;
	vm1 =	vmmov @!p0 $0x1;
	s23 =	simm.s32 $0x7400;
	s25 =	simm.s32 $0x0;
	[dreg:$0xb] =	wrdreg s0  }
.LBB2_9:
0x18: {  	s25 =	sadd.s32 $0x1, s25  }
0x19: {  	p1 =	sne.s32 s25, s13  }
.Ltmp1:
0x1a: {  	_ = 	snop;
	(pc) =	sbr.rel @!p1 .LBB2_10-.Ltmp1, $1  }
0x1b: {  	_ =	sdelay $0x3  }
.LBB2_1:
0x1c: {  	s0 =	rddreg [dreg:$0x4]  }
0x1d: {  	[tilespmem:s3], [sflag:$0x1] =	stream.linear.gather [hbm4b:s0+s3], $0x2000, $0x38;
	[tilespmem:$0x7CC0] =	vst v63  }
0x1e: {  	_ =	swait.ge [sflag:s18], $0x2000  }
0x1f: {  	[sflag:s18] =	ssyncset.done $0x0  }
0x20: {  	s14 =	rddreg [dreg:$0x5];
	[sflag:s18] =	ssyncadd.s32 $0xFFFFE000  }
0x21: {  	[tilespmem:s19], [sflag:$0x1] =	stream.linear.gather [hbm4b:s14+s3], $0x2000, $0x38;
	[tilespmem:$0x7CC0] =	vst v63  }
0x22: {  	_ =	swait.ge [sflag:s18], $0x2000  }
0x23: {  	[sflag:s18] =	ssyncset.done $0x0  }
0x24: {  	s15 =	rddreg [dreg:$0x6];
	[sflag:s18] =	ssyncadd.s32 $0xFFFFE000  }
0x25: {  	[tilespmem:s20], [sflag:$0x1] =	stream.linear.gather [hbm4b:s15+s3], $0x2000, $0x38;
	[tilespmem:$0x7CC0] =	vst v63  }
0x26: {  	_ =	swait.ge [sflag:s18], $0x2000  }
0x27: {  	[sflag:s18] =	ssyncset.done $0x0  }
0x28: {  	[sflag:s18] =	ssyncadd.s32 $0xFFFFE000  }
0x29: {  	v1 =	vld [tilespmem:$0x0]  }
0x2a: {  	v2 =	vld [tilespmem:$0x2000]  }
0x2b: {  	v3 =	vld [tilespmem:$0x4000];
	_ =	sdelay $0x2  }
0x2c: {  	v1 =	vnsel vm0, $0xFF7FC99E, v1  }
0x2d: {  	(xrf0) =	vmax.scan.msk.f32 $0xffff, v1;
	v1 =	vnsel vm0, $0xFF7FC99E, v2  }
0x2e: {  	(xrf0) =	vmax.scan.msk.f32 $0xffff, v1;
	v1 =	vnsel vm0, $0xFF7FC99E, v3  }
0x2f: {  	(xrf0) =	vmax.scan.msk.f32 $0xffff, v1;
	_ =	sdelay $0x3  }
0x30: {  	v1, _, _ =	vpop (xrf0)  }
0x31: {  	v2, _, _ =	vpop (xrf0);
	v1 =	vbroadcast v1, $0xF  }
0x32: {  	v2 =	vbroadcast v2, $0xF;
	v3, _, _ =	vpop (xrf0)  }
0x33: {  	v3 =	vbroadcast v3, $0xF;
	v4 =	vnsel @!p0 vm1, $0x0, v1  }
0x34: {  	[tilespmem:$0x7000] =	vst @!p0 v4;
	v4 =	vnsel @!p0 vm1, $0x0, v2  }
0x35: {  	[tilespmem:$0x7400] =	vst @!p0 v4;
	v4 =	vnsel @!p0 vm1, $0x0, v3  }
0x36: {  	[tilespmem:$0x7800] =	vst @!p0 v4  }
0x37: {  	v4 =	vld [tilespmem:s7+$0x30]  }
0x38: {  	v5 =	vld [tilespmem:s7+$0x20]  }
0x39: {  	v6 =	vld [tilespmem:s5+$0x30]  }
0x3a: {  	v7 =	vld [tilespmem:s16+$0x30]  }
0x3b: {  	v8 =	vld [tilespmem:s7+$0x10]  }
0x3c: {  	v10 =	vld [tilespmem:s5+$0x20]  }
0x3d: {  	v11 =	vld [tilespmem:s16+$0x20]  }
0x3e: {  	v13 =	vld [tilespmem:s7+$0x0]  }
0x3f: {  	v14 =	vld [tilespmem:s5+$0x10]  }
0x40: {  	v15 =	vld [tilespmem:s16+$0x10]  }
0x41: {  	v17 =	vld [tilespmem:s7+$0xFFFFFFF0]  }
0x42: {  	v18 =	vld [tilespmem:s5+$0x0]  }
0x43: {  	v19 =	vld [tilespmem:s7+$0xFFFFFFE0]  }
0x44: {  	v12 =	vimm.f32 $-1.000000000e+00;
	v20 =	vld [tilespmem:s5+$0xFFFFFFF0];
	v4 =	vsub.f32 v4, v3;
	v21 =	vsub.f32 v5, v3  }
0x45: {  	v9 =	vimm.s32 $0x0;
	s17 =	sadd.s32 $0xFFFFFFE0, s11;
	v23 =	vld [tilespmem:s7+$0xFFFFFFD0];
	v22 =	vsub.f32 v6, v1;
	v7 =	vsub.f32 v7, v2  }
0x46: {  	s26 =	sadd.s32 $0xFFFFFFD0, s11;
	v24 =	vld [tilespmem:s5+$0xFFFFFFE0];
	v25 =	vsub.f32 v8, v3;
	v5 =	vor.u32 s17, v0;
	v26 =	vsub.f32 v10, v1  }
0x47: {  	s28 =	sadd.s32 $0xFFFFFFC0, s11;
	v27 =	vld [tilespmem:s7+$0xFFFFFFC0];
	v28 =	vsub.f32 v13, v3;
	v6 =	vor.u32 s26, v0;
	v11 =	vsub.f32 v11, v2  }
0x48: {  	s29 =	sadd.s32 $0xFFFFFFB0, s11;
	v29 =	vld [tilespmem:s5+$0xFFFFFFC0];
	v8 =	vor.u32 s28, v0;
	v30 =	vsub.f32 v14, v1;
	v16 =	vsub.f32 v15, v2  }
0x49: {  	s30 =	sadd.s32 $0xFFFFFFA0, s11;
	v31 =	vld [tilespmem:s16+$0xFFFFFFC0];
	v10 =	vor.u32 s29, v0;
	v32 =	vsub.f32 v17, v3;
	v33 =	vsub.f32 v18, v1  }
0x4a: {  	s31 =	sadd.s32 $0xFFFFFF90, s11;
	v34 =	vld [tilespmem:s5+$0xFFFFFFD0];
	v15 =	vor.u32 s30, v0;
	v35 =	vsub.f32 v19, v3;
	v36 =	vsub.f32 v20, v1  }
0x4b: {  	v37 =	vld [tilespmem:s16+$0xFFFFFFD0];
	v19 =	vor.u32 s31, v0;
	v38 =	vsub.f32 v23, v3;
	v24 =	vsub.f32 v24, v1  }
0x4c: {  	v39 =	vld [tilespmem:s16+$0xFFFFFFE0];
	v27 =	vsub.f32 v27, v3;
	v13 =	vmul.f32 v21, v21;
	v14 =	vmul.f32 v22, v22  }
0x4d: {  	v29 =	vsub.f32 v29, v1;
	v17 =	vmul.f32 v25, v25;
	v18 =	vmul.f32 v26, v26  }
0x4e: {  	v25 =	vsub.f32 v31, v2;
	v26 =	vld [tilespmem:s16+$0xFFFFFFF0];
	v20 =	vmul.f32 v28, v28;
	v21 =	vmul.f32 v30, v30  }
0x4f: {  	v28 =	vsub.f32 v34, v1;
	v22 =	vmul.f32 v32, v32;
	v23 =	vmul.f32 v33, v33  }
0x50: {  	v60 =	vld [tilespmem:s16+$0x0];
	v29 =	vmul.f32 v29, v29;
	v31 =	vsub.f32 v37, v2;
	v30 =	vmul.f32 v25, v25  }
0x51: {  	v61 =	vsub.f32 v39, v2;
	v27 =	vmul.f32 v27, v27;
	v62 =	vmul.f32 v38, v38  }
0x52: {  	v31 =	vmul.f32 v31, v31;
	v29 =	vadd.f32 v30, v29;
	v30 =	vmul.f32 v28, v28  }
0x53: {  	v63 =	vmul.f32 v24, v24;
	v25 =	vmul.f32 v35, v35;
	v24 =	vsub.f32 v26, v2  }
0x54: {  	v28 =	vadd.f32 v27, v29;
	v30 =	vadd.f32 v31, v30;
	v31 =	vmul.f32 v61, v61  }
0x55: {  	s4 =	simm.s32 $0x0;
	s12 =	sadd.s32 $0x80, s7;
	s0 =	simm.s32 $0x6040;
	v26 =	vmul.f32 v36, v36;
	v29 =	vsub.f32 v60, v2;
	v27 =	vmul.f32 v24, v24  }
0x56: {  	s10 =	smov.u32 s11;
	s14 =	smov.u32 s5;
	s15 =	smov.u32 s16;
	[tilespmem:s0+$0xFFFFFFC0] =	vst v28;
	vm2 =	vgt.f32 v28, v12;
	v24 =	vadd.f32 v62, v30;
	v30 =	vadd.f32 v31, v63  }
.LBB2_2:
0x57: {  	v31 =	vld [tilespmem:s12+$0x30];
	v12 =	vsel vm2, v28, v12;
	v9 =	vsel vm2, v19, v9;
	v19 =	vmul.f32 v29, v29  }
0x58: {  	v26 =	vadd.f32 v27, v26;
	s14 =	sadd.s32 $0x80, s14;
	v28 =	vld [tilespmem:s12+$0x20];
	[tilespmem:s0+$0xFFFFFFD0] =	vst v24;
	vm2 =	vgt.f32 v24, v12;
	v25 =	vadd.f32 v25, v30  }
0x59: {  	s15 =	sadd.s32 $0x80, s15;
	v27 =	vld [tilespmem:s14+$0x30];
	v12 =	vsel vm2, v24, v12;
	v9 =	vsel vm2, v15, v9;
	v15 =	vmul.f32 v16, v16  }
0x5a: {  	v22 =	vadd.f32 v22, v26;
	v19 =	vadd.f32 v19, v23;
	v16 =	vld [tilespmem:s15+$0x30];
	[tilespmem:s0+$0xFFFFFFE0] =	vst v25;
	vm2 =	vgt.f32 v25, v12  }
0x5b: {  	v23 =	vld [tilespmem:s12+$0x10];
	v12 =	vsel vm2, v25, v12;
	v9 =	vsel vm2, v10, v9;
	v10 =	vmul.f32 v11, v11  }
0x5c: {  	v19 =	vadd.f32 v20, v19;
	v15 =	vadd.f32 v15, v21;
	v11 =	vld [tilespmem:s14+$0x20];
	[tilespmem:s0+$0xFFFFFFF0] =	vst v22;
	vm2 =	vgt.f32 v22, v12  }
0x5d: {  	v7 =	vmul.f32 v7, v7;
	v20 =	vld [tilespmem:s15+$0x20];
	v12 =	vsel vm2, v22, v12;
	v8 =	vsel vm2, v8, v9  }
0x5e: {  	v9 =	vadd.f32 v17, v15;
	v10 =	vadd.f32 v10, v18;
	v21 =	vld [tilespmem:s12+$0x0];
	[tilespmem:s0+$0x0] =	vst v19;
	vm2 =	vgt.f32 v19, v12  }
0x5f: {  	v4 =	vmul.f32 v4, v4;
	v15 =	vld [tilespmem:s14+$0x10];
	v12 =	vsel vm2, v19, v12;
	v6 =	vsel vm2, v6, v8  }
0x60: {  	v7 =	vadd.f32 v7, v14;
	v8 =	vadd.f32 v13, v10;
	v17 =	vld [tilespmem:s15+$0x10];
	[tilespmem:s0+$0x10] =	vst v9;
	vm2 =	vgt.f32 v9, v12  }
0x61: {  	s17 =	sadd.s32 $0xFFFFFFF0, s10;
	v13 =	vld [tilespmem:s12+$0xFFFFFFF0];
	v9 =	vsel vm2, v9, v12;
	v5 =	vsel vm2, v5, v6;
	v6 =	vor.u32 s10, v0  }
0x62: {  	v10 =	vor.u32 s17, v0;
	v12 =	vadd.f32 v4, v7;
	v14 =	vld [tilespmem:s14+$0x0];
	[tilespmem:s0+$0x20] =	vst v8;
	vm2 =	vgt.f32 v8, v9  }
0x63: {  	v4 =	vsub.f32 v31, v3;
	v18 =	vld [tilespmem:s12+$0xFFFFFFE0];
	v8 =	vsel vm2, v8, v9;
	v5 =	vsel vm2, v10, v5  }
0x64: {  	v22 =	vsub.f32 v28, v3;
	v24 =	vsub.f32 v27, v1;
	s10 =	sadd.s32 $0x80, s10;
	v19 =	vld [tilespmem:s14+$0xFFFFFFF0];
	[tilespmem:s0+$0x30] =	vst v12;
	vm2 =	vgt.f32 v12, v8  }
0x65: {  	v7 =	vsub.f32 v16, v2;
	s17 =	sadd.s32 $0xFFFFFFE0, s10;
	v25 =	vld [tilespmem:s12+$0xFFFFFFD0];
	v12 =	vsel vm2, v12, v8;
	v9 =	vsel vm2, v6, v5  }
0x66: {  	v23 =	vsub.f32 v23, v3;
	v27 =	vsub.f32 v11, v1;
	s8 =	sadd.s32 $0xFFFFFFD0, s10;
	v5 =	vor.u32 s17, v0;
	v26 =	vld [tilespmem:s14+$0xFFFFFFE0]  }
0x67: {  	v11 =	vsub.f32 v20, v2;
	v21 =	vsub.f32 v21, v3;
	s17 =	sadd.s32 $0xFFFFFFC0, s10;
	v6 =	vor.u32 s8, v0;
	v28 =	vld [tilespmem:s12+$0xFFFFFFC0]  }
0x68: {  	v29 =	vsub.f32 v15, v1;
	s8 =	sadd.s32 $0xFFFFFFB0, s10;
	v16 =	vsub.f32 v17, v2;
	v8 =	vor.u32 s17, v0;
	v20 =	vld [tilespmem:s14+$0xFFFFFFC0]  }
0x69: {  	s4 =	sadd.s32 $0x8, s4;
	s17 =	sadd.s32 $0xFFFFFFA0, s10;
	v10 =	vor.u32 s8, v0;
	v31 =	vsub.f32 v13, v3;
	v32 =	vsub.f32 v14, v1;
	v30 =	vld [tilespmem:s15+$0xFFFFFFC0]  }
0x6a: {  	p1 =	slt.u32 s4, $0xF8;
	s8 =	sadd.s32 $0xFFFFFF90, s10;
	v15 =	vor.u32 s17, v0;
	v34 =	vsub.f32 v18, v3;
	v35 =	vsub.f32 v19, v1;
	v33 =	vld [tilespmem:s14+$0xFFFFFFD0]  }
0x6b: {  	v19 =	vor.u32 s8, v0;
	v37 =	vsub.f32 v25, v3;
	v36 =	vld [tilespmem:s15+$0xFFFFFFD0];
	v26 =	vsub.f32 v26, v1  }
0x6c: {  	v13 =	vmul.f32 v22, v22;
	v14 =	vmul.f32 v24, v24;
	v25 =	vsub.f32 v28, v3;
	v28 =	vld [tilespmem:s15+$0xFFFFFFE0]  }
0x6d: {  	v17 =	vmul.f32 v23, v23;
	v18 =	vmul.f32 v27, v27;
	v24 =	vsub.f32 v20, v1  }
0x6e: {  	v20 =	vmul.f32 v21, v21;
	v21 =	vmul.f32 v29, v29;
	v27 =	vsub.f32 v30, v2;
	v30 =	vld [tilespmem:s15+$0xFFFFFFF0]  }
0x6f: {  	v22 =	vmul.f32 v31, v31;
	v23 =	vmul.f32 v32, v32;
	v29 =	vsub.f32 v33, v1  }
0x70: {  	v24 =	vmul.f32 v24, v24;
	v27 =	vmul.f32 v27, v27;
	v31 =	vsub.f32 v36, v2;
	v32 =	vld [tilespmem:s15+$0x0]  }
0x71: {  	v33 =	vmul.f32 v25, v25;
	v25 =	vmul.f32 v34, v34;
	v36 =	vsub.f32 v28, v2  }
.Ltmp2:
0x72: {  	v24 =	vadd.f32 v27, v24;
	v27 =	vmul.f32 v29, v29;
	v29 =	vmul.f32 v31, v31;
	(pc) =	sbr.rel @p1 .LBB2_2-.Ltmp2, $4  }
0x73: {  	v34 =	vmul.f32 v26, v26;
	v31 =	vmul.f32 v37, v37;
	v30 =	vsub.f32 v30, v2  }
0x74: {  	v28 =	vadd.f32 v33, v24;
	v24 =	vadd.f32 v29, v27;
	v33 =	vmul.f32 v36, v36  }
0x75: {  	s0 =	sadd.s32 $0x80, s0;
	v26 =	vmul.f32 v35, v35;
	v27 =	vmul.f32 v30, v30;
	v29 =	vsub.f32 v32, v2  }
0x76: {  	s12 =	sadd.s32 $0x80, s12;
	[tilespmem:s0+$0xFFFFFFC0] =	vst v28;
	vm2 =	vgt.f32 v28, v12;
	v24 =	vadd.f32 v31, v24;
	v30 =	vadd.f32 v33, v34  }
0x77: {  	v1 =	vsel vm2, v28, v12;
	v2 =	vmul.f32 v29, v29  }
0x78: {  	v58 =	vadd.f32 v27, v26;
	vm3 =	vgt.f32 v24, v1;
	v3 =	vadd.f32 v25, v30  }
0x79: {  	v16 =	vmul.f32 v16, v16;
	v1 =	vsel vm3, v24, v1  }
0x7a: {  	v12 =	vadd.f32 v22, v58;
	v2 =	vadd.f32 v2, v23;
	vm4 =	vgt.f32 v3, v1  }
0x7b: {  	v11 =	vmul.f32 v11, v11;
	v1 =	vsel vm4, v3, v1  }
0x7c: {  	v16 =	vadd.f32 v16, v21;
	v2 =	vadd.f32 v20, v2;
	vm5 =	vgt.f32 v12, v1  }
0x7d: {  	v7 =	vmul.f32 v7, v7;
	v1 =	vsel vm5, v12, v1  }
0x7e: {  	v11 =	vadd.f32 v11, v18;
	v16 =	vadd.f32 v17, v16;
	vm6 =	vgt.f32 v2, v1  }
0x7f: {  	v4 =	vmul.f32 v4, v4;
	v1 =	vsel vm6, v2, v1  }
0x80: {  	v7 =	vadd.f32 v7, v14;
	v11 =	vadd.f32 v13, v11;
	vm7 =	vgt.f32 v16, v1  }
0x81: {  	v1 =	vsel vm7, v16, v1  }
0x82: {  	v4 =	vadd.f32 v4, v7;
	vm8 =	vgt.f32 v11, v1  }
0x83: {  	v1 =	vsel vm8, v11, v1  }
0x84: {  	vm9 =	vgt.f32 v4, v1  }
0x85: {  	v1 =	vsel vm9, v4, v1  }
0x86: {  	(xrf0) =	vmax.scan.msk.f32 $0xffff, v1  }
0x87: {  	v59 =	vsel vm2, v19, v9  }
0x88: {  	v7 =	vsel vm3, v15, v59  }
0x89: {  	v7 =	vsel vm4, v10, v7  }
0x8a: {  	v7 =	vsel vm5, v8, v7  }
0x8b: {  	s4 =	sadd.s32 $0xFFFFFFF0, s10;
	v6 =	vsel vm6, v6, v7  }
0x8c: {  	v60 =	vor.u32 s4, v0;
	v5 =	vsel vm7, v5, v6;
	v61, _, _ =	vpop (xrf0)  }
0x8d: {  	v62 =	vor.u32 s10, v0;
	v5 =	vsel vm8, v60, v5;
	v63 =	vbroadcast v61, $0xF  }
0x8e: {  	v5 =	vsel vm9, v62, v5  }
0x8f: {  	vm2 =	veq.f32 v1, v63;
	v1 =	vxor.u32 $0x80000000, v5  }
0x90: {  	v1 =	vnsel vm2, $0x80002000, v1  }
0x91: {  	(xrf0) =	vmin.scan.msk.u32 $0xffff, v1;
	_ =	sdelay $0x5  }
0x92: {  	v1, _, _ =	vpop (xrf0)  }
0x93: {  	(v2sf) =	vpush v1, $0xF;
	_ =	sdelay $0x9  }
0x94: {  	[tilespmem:s0+$0xFFFFFFD0] =	vst v24  }
0x95: {  	[tilespmem:s0+$0xFFFFFFE0] =	vst v3  }
0x96: {  	[tilespmem:s0+$0xFFFFFFF0] =	vst v12  }
0x97: {  	[tilespmem:s0+$0x0] =	vst v2  }
0x98: {  	[tilespmem:s0+$0x10] =	vst v16  }
0x99: {  	[tilespmem:s0+$0x20] =	vst v11;
	s12 =	spop (v2sf)  }
0x9a: {  	[tilespmem:s0+$0x30] =	vst v4;
	s14 =	sxor.u32 $0x80000000, s12  }
0x9b: {  	[tilespmem:$0x7C00] =	vst v63;
	v1 =	vmov s14  }
0x9c: {  	s15 =	rddreg [dreg:$0x7];
	[tilespmem:$0x7C10] =	vst v1  }
0x9d: {  	[spmem:s15] =	stream.linear.scatter [tilespmem:s21], [sflag:$0x1], $0x20, $0x38;
	[tilespmem:$0x7CC0] =	vst v63  }
0x9e: {  	_ =	swait.ge [sflag:s18], $0x20  }
0x9f: {  	[sflag:s18] =	ssyncset.done $0x0  }
0xa0: {  	[sflag:s18] =	ssyncadd.s32 $0xFFFFFFE0  }
0xa1: {  	[bflag:$0x0] =	sbarrier.arrive $0xFFFF  }
0xa2: {  	s17 =	rddreg [dreg:$0x8]  }
0xa3: {  	[tilespmem:s21], [sflag:$0x1] =	stream.linear.gather [spmem:s17], $0x20, $0x38;
	[tilespmem:$0x7CC0] =	vst v63  }
0xa4: {  	_ =	swait.ge [sflag:s18], $0x20  }
0xa5: {  	[sflag:s18] =	ssyncset.done $0x0  }
0xa6: {  	[sflag:s18] =	ssyncadd.s32 $0xFFFFFFE0  }
0xa7: {  	v1 =	vld [tilespmem:$0x7C00]  }
0xa8: {  	v2 =	vld [tilespmem:$0x7C10];
	_ =	sdelay $0x4  }
0xa9: {  	vm2 =	veq.f32 v1, v63;
	vm3 =	vlt.s32 v2, s14  }
0xaa: {  	vm15 =	vgt.f32 v1, v63;
	vm2 =	vmand vm2, vm3  }
0xab: {  	vm2 =	vmor vm15, vm2  }
0xac: {  	v3 =	vnsel vm2, s14, v2;
	_ =	sdelay $0x4  }
0xad: {  	v4 =	vimm.s32 @!p0 $0x1;
	v1 =	vld.idx.msk [tilespmem:v3+s3+$0x0], $0xffff  }
0xae: {  	v2 =	vld.idx.msk [tilespmem:v3+s19+$0x0], $0xffff  }
0xaf: {  	v3 =	vld.idx.msk [tilespmem:v3+s20+$0x0], $0xffff  }
.Ltmp3:
0xb0: {  	_ = 	snop;
	(pc) =	sbr.rel .LBB2_4-.Ltmp3, $4  }
0xb1: {  	s0 =	simm.s32 @!p0 $0x7000  }
0xb2: {  	[tilespmem:v4+s0+$0x0] =	vst.idx.msk @!p0 $0x1, v1;
	s0 =	simm.s32 @!p0 $0x7400  }
0xb3: {  	[tilespmem:v4+s0+$0x0] =	vst.idx.msk @!p0 $0x1, v2;
	s0 =	simm.s32 @!p0 $0x7800  }
0xb4: {  	[tilespmem:v4+s0+$0x0] =	vst.idx.msk @!p0 $0x1, v3;
	s0 =	simm.s32 $0x2  }
.LBB2_11:
0xb5: {  	s0 =	sadd.s32 $0x1, s0  }
0xb6: {  	p1 =	seq.s32 s0, $0x400  }
.Ltmp4:
0xb7: {  	_ = 	snop;
	(pc) =	sbr.rel @p1 .LBB2_9-.Ltmp4, $1  }
0xb8: {  	_ =	sdelay $0x3  }
.LBB2_4:
0xb9: {  	v4 =	vld [tilespmem:s16+$0x30]  }
0xba: {  	v5 =	vld [tilespmem:s16+$0x20]  }
0xbb: {  	v6 =	vld [tilespmem:s5+$0x30]  }
0xbc: {  	v7 =	vld [tilespmem:s7+$0x30]  }
0xbd: {  	v8 =	vld [tilespmem:s16+$0x10]  }
0xbe: {  	v9 =	vld [tilespmem:s5+$0x20]  }
0xbf: {  	v10 =	vld [tilespmem:s7+$0x20]  }
0xc0: {  	v11 =	vld [tilespmem:s16+$0x0]  }
0xc1: {  	v12 =	vld [tilespmem:s5+$0x10]  }
0xc2: {  	v13 =	vld [tilespmem:s7+$0x10]  }
0xc3: {  	v14 =	vld [tilespmem:s16+$0xFFFFFFF0]  }
0xc4: {  	v15 =	vld [tilespmem:s5+$0x0]  }
0xc5: {  	v16 =	vld [tilespmem:s7+$0x0];
	v17 =	vsub.f32 v5, v2  }
0xc6: {  	v23 =	vimm.f32 $-1.000000000e+00;
	v19 =	vld [tilespmem:s16+$0xFFFFFFE0];
	v18 =	vsub.f32 v4, v2;
	v20 =	vsub.f32 v6, v1  }
0xc7: {  	v25 =	vimm.s32 $0x0;
	v21 =	vld [tilespmem:s5+$0xFFFFFFF0];
	v22 =	vsub.f32 v8, v2;
	v24 =	vsub.f32 v7, v3  }
0xc8: {  	v32 =	vld [tilespmem:s5+$0xFFFFFFC0];
	v36 =	vor.u32 s31, v0;
	v26 =	vsub.f32 v9, v1;
	v27 =	vsub.f32 v10, v3  }
0xc9: {  	v35 =	vld [tilespmem:s7+$0xFFFFFFC0];
	v4 =	vor.u32 s26, v0;
	v28 =	vsub.f32 v11, v2;
	v12 =	vsub.f32 v12, v1  }
0xca: {  	v29 =	vld [tilespmem:s16+$0xFFFFFFC0];
	v5 =	vor.u32 s28, v0;
	v30 =	vsub.f32 v14, v2;
	v31 =	vsub.f32 v13, v3  }
0xcb: {  	v7 =	vld [tilespmem:s16+$0xFFFFFFD0];
	v6 =	vor.u32 s29, v0;
	v33 =	vsub.f32 v15, v1;
	v34 =	vsub.f32 v16, v3  }
0xcc: {  	v10 =	vld [tilespmem:s5+$0xFFFFFFE0];
	v37 =	vsub.f32 v19, v2;
	v9 =	vmul.f32 v17, v17;
	v11 =	vmul.f32 v24, v24  }
0xcd: {  	v38 =	vsub.f32 v21, v1;
	v21 =	vld [tilespmem:s5+$0xFFFFFFD0];
	v13 =	vmul.f32 v22, v22;
	v14 =	vmul.f32 v26, v26  }
0xce: {  	v17 =	vld [tilespmem:s7+$0xFFFFFFD0];
	v22 =	vsub.f32 v32, v1;
	v16 =	vmul.f32 v28, v28;
	v26 =	vsub.f32 v35, v3  }
0xcf: {  	v24 =	vsub.f32 v29, v2;
	v29 =	vld [tilespmem:s7+$0xFFFFFFE0];
	v15 =	vmul.f32 v27, v27;
	v19 =	vmul.f32 v31, v31  }
0xd0: {  	v8 =	vor.u32 s30, v0;
	v27 =	vld [tilespmem:s7+$0xFFFFFFF0];
	v22 =	vmul.f32 v22, v22;
	v26 =	vmul.f32 v26, v26  }
0xd1: {  	v24 =	vmul.f32 v24, v24;
	v39 =	vsub.f32 v7, v2;
	v7 =	vmul.f32 v18, v18  }
0xd2: {  	s10 =	simm.s32 $0x6040;
	v40 =	vsub.f32 v10, v1;
	v10 =	vmul.f32 v20, v20;
	v18 =	vmul.f32 v12, v12  }
0xd3: {  	v28 =	vld [tilespmem:s10+$0xFFFFFFC0];
	v12 =	vsub.f32 v21, v1;
	v20 =	vmul.f32 v30, v30;
	v17 =	vsub.f32 v17, v3  }
0xd4: {  	v30 =	vmul.f32 v37, v37;
	v22 =	vadd.f32 v26, v22;
	v29 =	vsub.f32 v29, v3  }
0xd5: {  	v61 =	vld [tilespmem:s10+$0xFFFFFFD0];
	v26 =	vmul.f32 v12, v12;
	v27 =	vsub.f32 v27, v3;
	v17 =	vmul.f32 v17, v17  }
0xd6: {  	v12 =	vld [tilespmem:s10+$0x30];
	v31 =	vmul.f32 v40, v40;
	v22 =	vadd.f32 v22, v24;
	v29 =	vmul.f32 v29, v29  }
0xd7: {  	v62 =	vmul.f32 v39, v39;
	v24 =	vld [tilespmem:s10+$0xFFFFFFE0];
	v27 =	vmul.f32 v27, v27;
	v26 =	vadd.f32 v17, v26  }
0xd8: {  	v63 =	vmin.f32 v28, v22;
	v22 =	vld [tilespmem:s10+$0x10];
	v29 =	vadd.f32 v29, v31;
	v31 =	vmul.f32 v38, v38  }
0xd9: {  	v21 =	vmul.f32 v33, v33;
	v28 =	vmul.f32 v34, v34;
	v17 =	vld [tilespmem:s10+$0x20];
	v33 =	vadd.f32 v26, v62  }
0xda: {  	s12 =	simm.s32 $0x0;
	s4 =	sadd.s32 $0x80, s16;
	vm2 =	vgt.f32 v63, v23;
	v29 =	vadd.f32 v29, v30;
	v30 =	vadd.f32 v27, v31;
	v27 =	vld [tilespmem:s10+$0xFFFFFFF0]  }
0xdb: {  	s15 =	smov.u32 s5;
	s17 =	smov.u32 s7;
	s14 =	smov.u32 s11;
	[tilespmem:s10+$0xFFFFFFC0] =	vst v63;
	v31 =	vsel vm2, v63, v23;
	v26 =	vsel vm2, v36, v25;
	v25 =	vld [tilespmem:s10+$0x0];
	v23 =	vmin.f32 v61, v33  }
.LBB2_5:
0xdc: {  	v32 =	vld [tilespmem:s4+$0x30];
	[tilespmem:s10+$0xFFFFFFD0] =	vst v23;
	vm2 =	vgt.f32 v23, v31;
	v20 =	vadd.f32 v30, v20;
	v21 =	vadd.f32 v28, v21  }
0xdd: {  	s15 =	sadd.s32 $0x80, s15;
	v28 =	vld [tilespmem:s4+$0x20];
	v23 =	vsel vm2, v23, v31;
	v8 =	vsel vm2, v8, v26;
	v24 =	vmin.f32 v24, v29  }
0xde: {  	v18 =	vadd.f32 v19, v18;
	s17 =	sadd.s32 $0x80, s17;
	v26 =	vld [tilespmem:s15+$0x30];
	[tilespmem:s10+$0xFFFFFFE0] =	vst v24;
	vm2 =	vgt.f32 v24, v23;
	v16 =	vadd.f32 v21, v16  }
0xdf: {  	v19 =	vld [tilespmem:s17+$0x30];
	v21 =	vsel vm2, v24, v23;
	v6 =	vsel vm2, v6, v8;
	v8 =	vmin.f32 v27, v20  }
0xe0: {  	v14 =	vadd.f32 v15, v14;
	v13 =	vadd.f32 v18, v13;
	v20 =	vld [tilespmem:s4+$0x10];
	[tilespmem:s10+$0xFFFFFFF0] =	vst v8;
	vm2 =	vgt.f32 v8, v21  }
0xe1: {  	v15 =	vld [tilespmem:s15+$0x20];
	v8 =	vsel vm2, v8, v21;
	v5 =	vsel vm2, v5, v6;
	v6 =	vmin.f32 v25, v16  }
0xe2: {  	v10 =	vadd.f32 v11, v10;
	v9 =	vadd.f32 v14, v9;
	v16 =	vld [tilespmem:s17+$0x20];
	[tilespmem:s10+$0x0] =	vst v6;
	vm2 =	vgt.f32 v6, v8  }
0xe3: {  	s8 =	sadd.s32 $0xFFFFFFE0, s14;
	v11 =	vld [tilespmem:s4+$0x0];
	v6 =	vsel vm2, v6, v8;
	v4 =	vsel vm2, v4, v5;
	v5 =	vmin.f32 v22, v13  }
0xe4: {  	v7 =	vadd.f32 v10, v7;
	v13 =	vor.u32 s8, v0;
	v8 =	vld [tilespmem:s15+$0x10];
	[tilespmem:s10+$0x10] =	vst v5;
	vm2 =	vgt.f32 v5, v6  }
0xe5: {  	s8 =	sadd.s32 $0xFFFFFFF0, s14;
	v10 =	vld [tilespmem:s17+$0x10];
	v5 =	vsel vm2, v5, v6;
	v4 =	vsel vm2, v13, v4;
	v6 =	vmin.f32 v17, v9  }
0xe6: {  	v14 =	vor.u32 s14, v0;
	v13 =	vor.u32 s8, v0;
	v9 =	vld [tilespmem:s4+$0xFFFFFFF0];
	[tilespmem:s10+$0x20] =	vst v6;
	vm2 =	vgt.f32 v6, v5  }
0xe7: {  	v17 =	vld [tilespmem:s15+$0x0];
	v5 =	vsel vm2, v6, v5;
	v4 =	vsel vm2, v13, v4;
	v6 =	vmin.f32 v12, v7  }
0xe8: {  	v12 =	vsub.f32 v28, v2;
	v13 =	vsub.f32 v32, v2;
	v7 =	vld [tilespmem:s17+$0x0];
	[tilespmem:s10+$0x30] =	vst v6;
	vm2 =	vgt.f32 v6, v5  }
0xe9: {  	v21 =	vsub.f32 v26, v1;
	s14 =	sadd.s32 $0x80, s14;
	v18 =	vld [tilespmem:s4+$0xFFFFFFE0];
	v23 =	vsel vm2, v6, v5;
	v25 =	vsel vm2, v14, v4  }
0xea: {  	v19 =	vsub.f32 v19, v3;
	s8 =	sadd.s32 $0xFFFFFFD0, s14;
	v20 =	vsub.f32 v20, v2;
	v14 =	vld [tilespmem:s15+$0xFFFFFFF0]  }
0xeb: {  	s9 =	sadd.s32 $0xFFFFFFC0, s14;
	v15 =	vsub.f32 v15, v1;
	v24 =	vsub.f32 v16, v3;
	v4 =	vor.u32 s8, v0;
	v22 =	vld [tilespmem:s4+$0xFFFFFFD0]  }
0xec: {  	v26 =	vsub.f32 v11, v2;
	s8 =	sadd.s32 $0xFFFFFFB0, s14;
	v5 =	vor.u32 s9, v0;
	v27 =	vsub.f32 v8, v1;
	v16 =	vld [tilespmem:s15+$0xFFFFFFE0]  }
0xed: {  	s9 =	sadd.s32 $0xFFFFFFA0, s14;
	v6 =	vor.u32 s8, v0;
	v30 =	vsub.f32 v10, v3;
	v29 =	vsub.f32 v9, v2;
	v28 =	vld [tilespmem:s4+$0xFFFFFFC0]  }
0xee: {  	s8 =	sadd.s32 $0xFFFFFF90, s14;
	v8 =	vor.u32 s9, v0;
	v17 =	vsub.f32 v17, v1;
	v32 =	vsub.f32 v7, v3;
	v31 =	vld [tilespmem:s15+$0xFFFFFFC0]  }
0xef: {  	s12 =	sadd.s32 $0x8, s12;
	v34 =	vor.u32 s8, v0;
	v35 =	vsub.f32 v18, v2;
	v33 =	vld [tilespmem:s17+$0xFFFFFFC0];
	v36 =	vsub.f32 v14, v1  }
0xf0: {  	p1 =	slt.u32 s12, $0xF8;
	v9 =	vmul.f32 v12, v12;
	v7 =	vmul.f32 v13, v13;
	v37 =	vld [tilespmem:s15+$0xFFFFFFD0];
	v22 =	vsub.f32 v22, v2  }
0xf1: {  	v11 =	vmul.f32 v19, v19;
	v10 =	vmul.f32 v21, v21;
	v12 =	vld [tilespmem:s17+$0xFFFFFFD0];
	v38 =	vsub.f32 v16, v1  }
0xf2: {  	v13 =	vmul.f32 v20, v20;
	v14 =	vmul.f32 v15, v15;
	v28 =	vsub.f32 v28, v2;
	v39 =	vld [tilespmem:s17+$0xFFFFFFE0]  }
0xf3: {  	v15 =	vmul.f32 v24, v24;
	v16 =	vmul.f32 v26, v26;
	v31 =	vsub.f32 v31, v1  }
0xf4: {  	v19 =	vmul.f32 v30, v30;
	v18 =	vmul.f32 v27, v27;
	v24 =	vsub.f32 v33, v3;
	v26 =	vld [tilespmem:s17+$0xFFFFFFF0]  }
0xf5: {  	v20 =	vmul.f32 v29, v29;
	v21 =	vmul.f32 v17, v17;
	v27 =	vsub.f32 v37, v1  }
0xf6: {  	s10 =	sadd.s32 $0x80, s10;
	v17 =	vmul.f32 v31, v31;
	v24 =	vmul.f32 v24, v24;
	v12 =	vsub.f32 v12, v3  }
0xf7: {  	v28 =	vmul.f32 v28, v28;
	v31 =	vmul.f32 v35, v35;
	v29 =	vld [tilespmem:s10+$0xFFFFFFC0];
	v30 =	vsub.f32 v39, v3  }
0xf8: {  	v17 =	vadd.f32 v24, v17;
	v24 =	vmul.f32 v27, v27;
	v27 =	vmul.f32 v12, v12;
	v12 =	vld [tilespmem:s10+$0x30]  }
0xf9: {  	v35 =	vmul.f32 v38, v38;
	v33 =	vld [tilespmem:s10+$0xFFFFFFD0];
	v30 =	vmul.f32 v30, v30;
	v26 =	vsub.f32 v26, v3  }
.Ltmp5:
0xfa: {  	v22 =	vmul.f32 v22, v22;
	v28 =	vadd.f32 v17, v28;
	v27 =	vadd.f32 v27, v24;
	v17 =	vld [tilespmem:s10+$0x20];
	(pc) =	sbr.rel @p1 .LBB2_5-.Ltmp5, $4  }
0xfb: {  	v30 =	vadd.f32 v30, v35;
	v24 =	vld [tilespmem:s10+$0xFFFFFFE0];
	v35 =	vmul.f32 v36, v36;
	v26 =	vmul.f32 v26, v26  }
0xfc: {  	v36 =	vmin.f32 v29, v28;
	v37 =	vadd.f32 v27, v22;
	v28 =	vmul.f32 v32, v32;
	v22 =	vld [tilespmem:s10+$0x10]  }
0xfd: {  	[tilespmem:s10+$0xFFFFFFC0] =	vst v36;
	vm2 =	vgt.f32 v36, v23;
	v29 =	vadd.f32 v30, v31;
	v30 =	vadd.f32 v26, v35;
	v27 =	vld [tilespmem:s10+$0xFFFFFFF0]  }
0xfe: {  	s4 =	sadd.s32 $0x80, s4;
	v31 =	vsel vm2, v36, v23;
	v26 =	vsel vm2, v34, v25;
	v23 =	vmin.f32 v33, v37;
	v25 =	vld [tilespmem:s10+$0x0]  }
0xff: {  	vm2 =	vgt.f32 v23, v31;
	v1 =	vadd.f32 v28, v21  }
0x100: {  	v2 =	vadd.f32 v30, v20;
	v3 =	vsel vm2, v23, v31;
	v59 =	vmin.f32 v24, v29  }
0x101: {  	v60 =	vadd.f32 v19, v18;
	vm3 =	vgt.f32 v59, v3  }
0x102: {  	v1 =	vadd.f32 v1, v16;
	v3 =	vsel vm3, v59, v3;
	v2 =	vmin.f32 v27, v2  }
0x103: {  	v14 =	vadd.f32 v15, v14;
	vm4 =	vgt.f32 v2, v3  }
0x104: {  	v13 =	vadd.f32 v60, v13;
	v1 =	vmin.f32 v25, v1;
	v3 =	vsel vm4, v2, v3  }
0x105: {  	v10 =	vadd.f32 v11, v10;
	vm5 =	vgt.f32 v1, v3  }
0x106: {  	v9 =	vadd.f32 v14, v9;
	v61 =	vmin.f32 v22, v13;
	v3 =	vsel vm5, v1, v3  }
0x107: {  	vm6 =	vgt.f32 v61, v3  }
0x108: {  	v7 =	vadd.f32 v10, v7;
	v9 =	vmin.f32 v17, v9;
	v3 =	vsel vm6, v61, v3  }
0x109: {  	vm7 =	vgt.f32 v9, v3  }
0x10a: {  	v7 =	vmin.f32 v12, v7;
	v3 =	vsel vm7, v9, v3  }
0x10b: {  	vm8 =	vgt.f32 v7, v3  }
0x10c: {  	v3 =	vsel vm8, v7, v3  }
0x10d: {  	(xrf0) =	vmax.scan.msk.f32 $0xffff, v3;
	_ =	sdelay $0x1  }
0x10e: {  	v8 =	vsel vm2, v8, v26  }
0x10f: {  	v6 =	vsel vm3, v6, v8  }
0x110: {  	s4 =	sadd.s32 $0xFFFFFFE0, s14;
	v5 =	vsel vm4, v5, v6  }
0x111: {  	s15 =	sadd.s32 $0xFFFFFFF0, s14;
	v4 =	vsel vm5, v4, v5;
	v5 =	vor.u32 s4, v0  }
0x112: {  	v4 =	vsel vm6, v5, v4;
	v5 =	vor.u32 s15, v0;
	v62, _, _ =	vpop (xrf0)  }
0x113: {  	v63 =	vor.u32 s14, v0;
	v4 =	vsel vm7, v5, v4;
	v5 =	vbroadcast v62, $0xF  }
0x114: {  	v4 =	vsel vm8, v63, v4  }
0x115: {  	vm2 =	veq.f32 v3, v5;
	v3 =	vxor.u32 $0x80000000, v4  }
0x116: {  	v3 =	vnsel vm2, $0x80002000, v3  }
0x117: {  	(xrf0) =	vmin.scan.msk.u32 $0xffff, v3;
	_ =	sdelay $0x5  }
0x118: {  	v3, _, _ =	vpop (xrf0)  }
0x119: {  	(v2sf) =	vpush v3, $0xF;
	_ =	sdelay $0x9  }
0x11a: {  	[tilespmem:s10+$0xFFFFFFD0] =	vst v23  }
0x11b: {  	[tilespmem:s10+$0xFFFFFFE0] =	vst v59  }
0x11c: {  	[tilespmem:s10+$0xFFFFFFF0] =	vst v2  }
0x11d: {  	[tilespmem:s10+$0x0] =	vst v1  }
0x11e: {  	s17 =	sshll.u32 s0, $0x4;
	[tilespmem:s10+$0x10] =	vst v61  }
0x11f: {  	[tilespmem:s10+$0x20] =	vst v9;
	s4 =	sand.u32 $0x10, s17;
	s8 =	spop (v2sf)  }
0x120: {  	[tilespmem:s10+$0x30] =	vst v7;
	s9 =	sor.u32 s1, s4;
	s8 =	sxor.u32 $0x80000000, s8  }
0x121: {  	s9 =	sshll.u32 s9, $0x5;
	[tilespmem:$0x7C00] =	vst v5;
	v1 =	vmov s8  }
0x122: {  	s9 =	sadd.s32 s9, s2;
	[tilespmem:$0x7C10] =	vst v1  }
0x123: {  	[spmem:s9] =	stream.linear.scatter [tilespmem:s21], [sflag:$0x1], $0x20, $0x38;
	[tilespmem:$0x7CC0] =	vst v63  }
0x124: {  	_ =	swait.ge [sflag:s18], $0x20  }
0x125: {  	s4 =	sor.u32 s6, s4;
	[sflag:s18] =	ssyncset.done $0x0  }
0x126: {  	s4 =	sshll.u32 s4, $0x5;
	[sflag:s18] =	ssyncadd.s32 $0xFFFFFFE0  }
0x127: {  	s4 =	sadd.s32 s4, s2;
	[bflag:$0x0] =	sbarrier.arrive $0xFFFF  }
0x128: {  	[tilespmem:s21], [sflag:$0x1] =	stream.linear.gather [spmem:s4], $0x20, $0x38;
	[tilespmem:$0x7CC0] =	vst v63  }
0x129: {  	_ =	swait.ge [sflag:s18], $0x20  }
0x12a: {  	[sflag:s18] =	ssyncset.done $0x0  }
0x12b: {  	[sflag:s18] =	ssyncadd.s32 $0xFFFFFFE0  }
0x12c: {  	v1 =	vld [tilespmem:$0x7C00]  }
0x12d: {  	v2 =	vld [tilespmem:$0x7C10];
	_ =	sdelay $0x4  }
0x12e: {  	vm2 =	veq.f32 v1, v5;
	vm3 =	vlt.s32 v2, s8  }
0x12f: {  	vm15 =	vgt.f32 v1, v5;
	vm2 =	vmand vm2, vm3  }
0x130: {  	vm2 =	vmor vm15, vm2  }
0x131: {  	v3 =	vnsel vm2, s8, v2;
	_ =	sdelay $0x2  }
.Ltmp6:
0x132: {  	_ = 	snop;
	(pc) =	sbr.rel @p0 .LBB2_11-.Ltmp6, $4  }
0x133: {  	_ = 	snop  }
0x134: {  	v1 =	vld.idx.msk [tilespmem:v3+s3+$0x0], $0xffff  }
0x135: {  	v2 =	vld.idx.msk [tilespmem:v3+s19+$0x0], $0xffff  }
0x136: {  	v3 =	vld.idx.msk [tilespmem:v3+s20+$0x0], $0xffff  }
0x137: {  	v4 =	vmov s0  }
0x138: {  	s0 =	sadd.s32 $0x1, s0  }
0x139: {  	p1 =	seq.s32 s0, $0x400  }
.Ltmp7:
0x13a: {  	_ = 	snop;
	(pc) =	sbr.rel @!p1 .LBB2_4-.Ltmp7, $4  }
0x13b: {  	_ = 	snop  }
0x13c: {  	[tilespmem:v4+s22+$0x0] =	vst.idx.msk $0x1, v1  }
0x13d: {  	[tilespmem:v4+s23+$0x0] =	vst.idx.msk $0x1, v2  }
0x13e: {  	[tilespmem:v4+s24+$0x0] =	vst.idx.msk $0x1, v3  }
0x13f: {  	s0 =	rddreg [dreg:$0x9]  }
0x140: {  	[hbm4b:s0+s3] =	stream.linear.scatter [tilespmem:s22], [sflag:$0x1], $0x400, $0x38;
	[tilespmem:$0x7CC0] =	vst v63  }
0x141: {  	_ =	swait.ge [sflag:s18], $0x400  }
0x142: {  	[sflag:s18] =	ssyncset.done $0x0  }
0x143: {  	s30 =	rddreg [dreg:$0xa];
	[sflag:s18] =	ssyncadd.s32 $0xFFFFFC00  }
0x144: {  	[hbm4b:s30+s3] =	stream.linear.scatter [tilespmem:s23], [sflag:$0x1], $0x400, $0x38;
	[tilespmem:$0x7CC0] =	vst v63  }
0x145: {  	_ =	swait.ge [sflag:s18], $0x400  }
0x146: {  	[sflag:s18] =	ssyncset.done $0x0  }
.Ltmp8:
0x147: {  	s31 =	rddreg [dreg:$0xb];
	[sflag:s18] =	ssyncadd.s32 $0xFFFFFC00;
	(pc) =	sbr.rel .LBB2_9-.Ltmp8, $4  }
0x148: {  	[hbm4b:s31+s3] =	stream.linear.scatter [tilespmem:s24], [sflag:$0x1], $0x400, $0x38;
	[tilespmem:$0x7CC0] =	vst v63  }
0x149: {  	_ =	swait.ge [sflag:s18], $0x400  }
0x14a: {  	[sflag:s18] =	ssyncset.done $0x0  }
0x14b: {  	[sflag:s18] =	ssyncadd.s32 $0xFFFFFC00  }
.LBB2_10:
0x14c: {  	_ =	sfence.sel $0x180000  }
0x14d: {  	[bflag:$0x0] =	sbarrier.arrive $0xFFFF  }
0x14e: {  	_ =	strace $0x90000047  }
0x14f: {  	[bflag:$0x2] =	sbarrier.arrive $0xFFFF  }
0x150: {  	p0 =	sne.s32 s1, $0x0;
	s0 =	rddreg [dreg:$0x3]  }
0x151: {  	s0 =	sadd.s32 @!p0 $0x100000, s0  }
0x152: {  	[sflag:s0] =	ssyncadd.tile.s32 @!p0 $0x1;
	_ =	shalt  }
.Lfunc_end2:
_tile_overlayer_lowered:
.L_overlay_start_2:
0x153: {  	(tag) =	ssettag $0x2  }
0x154: {  	s0 =	rddreg [dreg:$0x0];
	s2 =	stileid.u32  }
0x155: {  	s1 =	rddreg [dreg:$0x1];
	p0 =	sne.s32 s2, $0x0  }
0x156: {  	s3 =	rddreg [dreg:$0x2];
	[bflag:$0x3] =	sbarrier.arrive $0xFFFF;
	s2 =	simm.s32 @!p0 $0x1C01  }
0x157: {  	[timem:s3], [sflag:s2] =	dma.local @!p0 [hbm:s0], s1  }
0x158: {  	s0 =	simm.s32 @!p0 $0x1  }
0x159: {  	_ =	swait.ge @!p0 [sflag:s0], s1  }
0x15a: {  	s1 =	ssub.s32 @!p0 $0x0, s1;
	[sflag:s0] =	ssyncset.done @!p0 $0x0  }
0x15b: {  	[sflag:s0] =	ssyncadd.s32 @!p0 s1  }
0x15c: {  	[bflag:$0x3] =	sbarrier.arrive $0xFFFF  }
0x15d: {  	_ =	shalt  }

</sc_bundles>
